<compile_context>
chip_gen: v7x
topology: tpu7x:2x2x1
jax: 0.10.2.dev20260603
libtpu: 0.0.44.dev20260713+nightly
codegen_flags: <defaults>
</compile_context>

<pallas_src>
import jax
import jax.numpy as jnp
from jax import lax
from jax.experimental import pallas as pl
from jax.experimental.pallas import tpu as pltpu
from jax.experimental.pallas import tpu_sc as plsc

N_VERT = 100000
N_F0, N_E0, N_F1, N_E1 = 50000, 16, 20000, 2
P0, P1 = N_F0 // 2, N_F1 // 2

NC, NS = 2, 16
NW = NC * NS
L = 16


def _shard(n):
    s = -(-n // NW)
    return -(-s // L) * L


SP0 = _shard(P0)
SP1 = _shard(P1)


def _fill_positions(pos_v, base, size, parity):
    lane2 = lax.iota(jnp.int32, L) * 2
    start = base * 2 + parity
    for v in range(size // L):
        pos_v[pl.ds(v * L, L)] = lane2 + (start + v * 2 * L)


def _gather_body(table, f0, e0, f1, e1,
                 o_b0, o_d0, o_e0, o_b1, o_d1, o_e1,
                 pb0_v, pd0_v, ib0_v, id0_v, b0_v, d0_v,
                 pb1_v, pd1_v, ib1_v, id1_v, b1_v, d1_v,
                 idxe0_v, rowse0_v, idxe1_v, rowse1_v, sem, sem_e):
    wid = lax.axis_index("s") * NC + lax.axis_index("c")

    off0 = jnp.minimum(wid * SP0, P0 - SP0)
    off1 = jnp.minimum(wid * SP1, P1 - SP1)

    _fill_positions(pb0_v, off0, SP0, 0)
    _fill_positions(pd0_v, off0, SP0, 1)
    _fill_positions(pb1_v, off1, SP1, 0)
    _fill_positions(pd1_v, off1, SP1, 1)

    lists = ((f0, pb0_v, ib0_v, b0_v, SP0),
             (f1, pb1_v, ib1_v, b1_v, SP1),
             (f0, pd0_v, id0_v, d0_v, SP0),
             (f1, pd1_v, id1_v, d1_v, SP1))
    stage1 = [pltpu.async_copy(src.at[pos_v], idx_v, sem)
              for src, pos_v, idx_v, _, _ in lists]
    for c in stage1:
        c.wait()
    copies = [pltpu.async_copy(table.at[idx_v], rows_v, sem)
              for _, _, idx_v, rows_v, _ in lists]

    @pl.when(wid == 0)
    def _essentials():
        pltpu.sync_copy(e0, idxe0_v)
        pltpu.sync_copy(e1, idxe1_v)
        pltpu.async_copy(table.at[idxe0_v], rowse0_v, sem_e).wait()
        pltpu.async_copy(table.at[idxe1_v], rowse1_v, sem_e).wait()
        pltpu.sync_copy(rowse0_v, o_e0)
        pltpu.sync_copy(rowse1_v, o_e1)

    for c in copies:
        c.wait()

    pltpu.sync_copy(b0_v, o_b0.at[pl.ds(off0, SP0)])
    pltpu.sync_copy(d0_v, o_d0.at[pl.ds(off0, SP0)])
    pltpu.sync_copy(b1_v, o_b1.at[pl.ds(off1, SP1)])
    pltpu.sync_copy(d1_v, o_d1.at[pl.ds(off1, SP1)])


@jax.jit
def kernel(filtration, finite_idx_0, essential_idx_0, finite_idx_1, essential_idx_1):
    b0, d0, e0, b1, d1, e1 = pl.kernel(
        _gather_body,
        out_type=(
            jax.ShapeDtypeStruct((P0,), jnp.float32),
            jax.ShapeDtypeStruct((P0,), jnp.float32),
            jax.ShapeDtypeStruct((N_E0,), jnp.float32),
            jax.ShapeDtypeStruct((P1,), jnp.float32),
            jax.ShapeDtypeStruct((P1,), jnp.float32),
            jax.ShapeDtypeStruct((N_E1,), jnp.float32),
        ),
        mesh=plsc.VectorSubcoreMesh(
            core_axis_name="c", subcore_axis_name="s", num_cores=NC, num_subcores=NS
        ),
        scratch_types=[
            pltpu.VMEM((SP0,), jnp.int32),
            pltpu.VMEM((SP0,), jnp.int32),
            pltpu.VMEM((SP0,), jnp.int32),
            pltpu.VMEM((SP0,), jnp.int32),
            pltpu.VMEM((SP0,), jnp.float32),
            pltpu.VMEM((SP0,), jnp.float32),
            pltpu.VMEM((SP1,), jnp.int32),
            pltpu.VMEM((SP1,), jnp.int32),
            pltpu.VMEM((SP1,), jnp.int32),
            pltpu.VMEM((SP1,), jnp.int32),
            pltpu.VMEM((SP1,), jnp.float32),
            pltpu.VMEM((SP1,), jnp.float32),
            pltpu.VMEM((N_E0,), jnp.int32),
            pltpu.VMEM((N_E0,), jnp.float32),
            pltpu.VMEM((N_E1,), jnp.int32),
            pltpu.VMEM((N_E1,), jnp.float32),
            pltpu.SemaphoreType.DMA,
            pltpu.SemaphoreType.DMA,
        ],
    )(filtration, finite_idx_0, essential_idx_0, finite_idx_1, essential_idx_1)

    return (
        jnp.stack([b0, d0], axis=1),
        e0.reshape(-1, 1),
        jnp.stack([b1, d1], axis=1),
        e1.reshape(-1, 1),
    )

# --- scband reference (transcript-rebuilt; emitter-appended) ---
"""Pipeline reference for scband-lower-star-simplex-tree-layer-61151744360717 (READ-ONLY COPY).

The authoritative reference and input builder live on the scoring server;
editing this copy changes nothing except your own understanding.
"""

import jax, jax.numpy as jnp
import numpy as np

N_VERTICES = 100000


def setup_inputs(seed: int = 0) -> dict:
    key = jax.random.key(seed)
    k1, k2, k3, k4, k5 = jax.random.split(key, 5)
    # Filter function values on the vertices of the simplex tree (the only differentiable input).
    filtration = jax.random.normal(k1, (N_VERTICES,), dtype=jnp.float32)
    # Persistence-generator vertex indices. In the original layer these are produced by
    # gudhi's simplextree.lower_star_persistence_generators() on the host (non-differentiable,
    # integer constants w.r.t. the filtration). We simulate them with random in-range indices.
    # Dimension 0: 25000 finite pairs (birth,death vertex indices flattened) + 16 essential births.
    finite_idx_0 = jax.random.randint(k2, (50000,), 0, N_VERTICES, dtype=jnp.int32)
    essential_idx_0 = jax.random.randint(k3, (16,), 0, N_VERTICES, dtype=jnp.int32)
    # Dimension 1: 10000 finite pairs + 2 essential births.
    finite_idx_1 = jax.random.randint(k4, (20000,), 0, N_VERTICES, dtype=jnp.int32)
    essential_idx_1 = jax.random.randint(k5, (2,), 0, N_VERTICES, dtype=jnp.int32)
    return {
        "filtration": filtration,
        "finite_idx_0": finite_idx_0,
        "essential_idx_0": essential_idx_0,
        "finite_idx_1": finite_idx_1,
        "essential_idx_1": essential_idx_1,
    }


def reference(filtration, finite_idx_0, essential_idx_0, finite_idx_1, essential_idx_1):
    # Faithful translation of LowerStarSimplexTreeLayer.call for dimensions=[0, 1]:
    # dgm = (gather(filtration, finite_indices).reshape(-1, 2),
    #        gather(filtration, essential_indices).reshape(-1, 1)) per homology dimension.
    finite_dgm_0 = jnp.take(filtration, finite_idx_0, axis=0).reshape(-1, 2)
    essential_dgm_0 = jnp.take(filtration, essential_idx_0, axis=0).reshape(-1, 1)
    finite_dgm_1 = jnp.take(filtration, finite_idx_1, axis=0).reshape(-1, 2)
    essential_dgm_1 = jnp.take(filtration, essential_idx_1, axis=0).reshape(-1, 1)
    return (finite_dgm_0, essential_dgm_0, finite_dgm_1, essential_dgm_1)

if __name__ == "__main__":
    import jax
    _d = setup_inputs()
    print(jax.jit(kernel)(*tuple(_d.values())))

</pallas_src>

<mosaic_0001>
#map = affine_map<(d0, d1) -> (0)>
module attributes {stable_mosaic.version = 14 : i64} {
  func.func @_gather_body(%arg0: i32, %arg1: i32, %arg2: memref<100000xf32, #tpu.memory_space<hbm>>, %arg3: memref<50000xi32, #tpu.memory_space<hbm>>, %arg4: memref<16xi32, #tpu.memory_space<hbm>>, %arg5: memref<20000xi32, #tpu.memory_space<hbm>>, %arg6: memref<2xi32, #tpu.memory_space<hbm>>, %arg7: memref<25000xf32, #tpu.memory_space<hbm>>, %arg8: memref<25000xf32, #tpu.memory_space<hbm>>, %arg9: memref<16xf32, #tpu.memory_space<hbm>>, %arg10: memref<10000xf32, #tpu.memory_space<hbm>>, %arg11: memref<10000xf32, #tpu.memory_space<hbm>>, %arg12: memref<2xf32, #tpu.memory_space<hbm>>, %arg13: memref<784xi32, #tpu.memory_space<vmem>>, %arg14: memref<784xi32, #tpu.memory_space<vmem>>, %arg15: memref<784xi32, #tpu.memory_space<vmem>>, %arg16: memref<784xi32, #tpu.memory_space<vmem>>, %arg17: memref<784xf32, #tpu.memory_space<vmem>>, %arg18: memref<784xf32, #tpu.memory_space<vmem>>, %arg19: memref<320xi32, #tpu.memory_space<vmem>>, %arg20: memref<320xi32, #tpu.memory_space<vmem>>, %arg21: memref<320xi32, #tpu.memory_space<vmem>>, %arg22: memref<320xi32, #tpu.memory_space<vmem>>, %arg23: memref<320xf32, #tpu.memory_space<vmem>>, %arg24: memref<320xf32, #tpu.memory_space<vmem>>, %arg25: memref<16xi32, #tpu.memory_space<vmem>>, %arg26: memref<16xf32, #tpu.memory_space<vmem>>, %arg27: memref<2xi32, #tpu.memory_space<vmem>>, %arg28: memref<2xf32, #tpu.memory_space<vmem>>, %arg29: memref<!tpu.dma_semaphore, #tpu.memory_space<semaphore_mem>>, %arg30: memref<!tpu.dma_semaphore, #tpu.memory_space<semaphore_mem>>) attributes {dimension_semantics = [#tpu.dimension_semantics<core_parallel>, #tpu.dimension_semantics<subcore_parallel>], iteration_bounds = array<i64: 2, 16>, scalar_prefetch = 0 : i64, scratch_operands = 18 : i64, tpu.core_type = #tpu.core_type<sc_vector_subcore>, window_params = [{transform_indices = #map}, {transform_indices = #map}, {transform_indices = #map}, {transform_indices = #map}, {transform_indices = #map}, {transform_indices = #map}, {transform_indices = #map}, {transform_indices = #map}, {transform_indices = #map}, {transform_indices = #map}, {transform_indices = #map}]} {
    %mul3A = arith.constant 2 : i32
    %mul3A_0 = arith.muli %arg1, %mul3A : i32
    %add3A = arith.addi %mul3A_0, %arg0 : i32
    %mul3A_1 = arith.constant 784 : i32
    %mul3A_2 = arith.muli %add3A, %mul3A_1 : i32
    %min3A = arith.constant 24216 : i32
    %min3A_3 = arith.minsi %mul3A_2, %min3A : i32
    %mul3A_4 = arith.constant 320 : i32
    %mul3A_5 = arith.muli %add3A, %mul3A_4 : i32
    %min3A_6 = arith.constant 9680 : i32
    %min3A_7 = arith.minsi %mul3A_5, %min3A_6 : i32
    %iota3A = tpu.iota {dimensions = array<i32: 0>} : vector<16xi32>
    %mul3A_8 = arith.constant 2 : i32
    %mul3A_9 = vector.broadcast %mul3A_8 : i32 to vector<16xi32>
    %mul3A_10 = arith.muli %iota3A, %mul3A_9 : vector<16xi32>
    %mul3A_11 = arith.constant 2 : i32
    %mul3A_12 = arith.muli %min3A_3, %mul3A_11 : i32
    %add3A_13 = arith.constant 0 : i32
    %add3A_14 = arith.addi %mul3A_12, %add3A_13 : i32
    %add3A_15 = arith.constant 0 : i32
    %add3A_16 = arith.addi %add3A_14, %add3A_15 : i32
    %add3A_17 = vector.broadcast %add3A_16 : i32 to vector<16xi32>
    %add3A_18 = arith.addi %mul3A_10, %add3A_17 : vector<16xi32>
    %swap3A = arith.constant 0 : index
    %swap3A_19 = tpu.vector_load %arg13[%swap3A] {strides = array<i32>} : memref<784xi32, #tpu.memory_space<vmem>>, vector<16xi32>,
    %swap3A_20 = vector.shape_cast %swap3A_19 : vector<16xi32> to vector<16xi32>
    %swap3A_21 = vector.shape_cast %add3A_18 : vector<16xi32> to vector<16xi32>
    tpu.vector_store %arg13[%swap3A], %swap3A_21 {strides = array<i32>} : memref<784xi32, #tpu.memory_space<vmem>>, vector<16xi32>,
    %add3A_22 = arith.constant 32 : i32
    %add3A_23 = arith.addi %add3A_14, %add3A_22 : i32
    %add3A_24 = vector.broadcast %add3A_23 : i32 to vector<16xi32>
    %add3A_25 = arith.addi %mul3A_10, %add3A_24 : vector<16xi32>
    %swap3A_26 = arith.constant 16 : index
    %swap3A_27 = tpu.vector_load %arg13[%swap3A_26] {strides = array<i32>} : memref<784xi32, #tpu.memory_space<vmem>>, vector<16xi32>,
    %swap3A_28 = vector.shape_cast %swap3A_27 : vector<16xi32> to vector<16xi32>
    %swap3A_29 = vector.shape_cast %add3A_25 : vector<16xi32> to vector<16xi32>
    tpu.vector_store %arg13[%swap3A_26], %swap3A_29 {strides = array<i32>} : memref<784xi32, #tpu.memory_space<vmem>>, vector<16xi32>,
    %add3A_30 = arith.constant 64 : i32
    %add3A_31 = arith.addi %add3A_14, %add3A_30 : i32
    %add3A_32 = vector.broadcast %add3A_31 : i32 to vector<16xi32>
    %add3A_33 = arith.addi %mul3A_10, %add3A_32 : vector<16xi32>
    %swap3A_34 = arith.constant 32 : index
    %swap3A_35 = tpu.vector_load %arg13[%swap3A_34] {strides = array<i32>} : memref<784xi32, #tpu.memory_space<vmem>>, vector<16xi32>,
    %swap3A_36 = vector.shape_cast %swap3A_35 : vector<16xi32> to vector<16xi32>
    %swap3A_37 = vector.shape_cast %add3A_33 : vector<16xi32> to vector<16xi32>
    tpu.vector_store %arg13[%swap3A_34], %swap3A_37 {strides = array<i32>} : memref<784xi32, #tpu.memory_space<vmem>>, vector<16xi32>,
    %add3A_38 = arith.constant 96 : i32
    %add3A_39 = arith.addi %add3A_14, %add3A_38 : i32
    %add3A_40 = vector.broadcast %add3A_39 : i32 to vector<16xi32>
    %add3A_41 = arith.addi %mul3A_10, %add3A_40 : vector<16xi32>
    %swap3A_42 = arith.constant 48 : index
    %swap3A_43 = tpu.vector_load %arg13[%swap3A_42] {strides = array<i32>} : memref<784xi32, #tpu.memory_space<vmem>>, vector<16xi32>,
    %swap3A_44 = vector.shape_cast %swap3A_43 : vector<16xi32> to vector<16xi32>
    %swap3A_45 = vector.shape_cast %add3A_41 : vector<16xi32> to vector<16xi32>
    tpu.vector_store %arg13[%swap3A_42], %swap3A_45 {strides = array<i32>} : memref<784xi32, #tpu.memory_space<vmem>>, vector<16xi32>,
    %add3A_46 = arith.constant 128 : i32
    %add3A_47 = arith.addi %add3A_14, %add3A_46 : i32
    %add3A_48 = vector.broadcast %add3A_47 : i32 to vector<16xi32>
    %add3A_49 = arith.addi %mul3A_10, %add3A_48 : vector<16xi32>
    %swap3A_50 = arith.constant 64 : index
    %swap3A_51 = tpu.vector_load %arg13[%swap3A_50] {strides = array<i32>} : memref<784xi32, #tpu.memory_space<vmem>>, vector<16xi32>,
    %swap3A_52 = vector.shape_cast %swap3A_51 : vector<16xi32> to vector<16xi32>
    %swap3A_53 = vector.shape_cast %add3A_49 : vector<16xi32> to vector<16xi32>
    tpu.vector_store %arg13[%swap3A_50], %swap3A_53 {strides = array<i32>} : memref<784xi32, #tpu.memory_space<vmem>>, vector<16xi32>,
    %add3A_54 = arith.constant 160 : i32
    %add3A_55 = arith.addi %add3A_14, %add3A_54 : i32
    %add3A_56 = vector.broadcast %add3A_55 : i32 to vector<16xi32>
    %add3A_57 = arith.addi %mul3A_10, %add3A_56 : vector<16xi32>
    %swap3A_58 = arith.constant 80 : index
    %swap3A_59 = tpu.vector_load %arg13[%swap3A_58] {strides = array<i32>} : memref<784xi32, #tpu.memory_space<vmem>>, vector<16xi32>,
    %swap3A_60 = vector.shape_cast %swap3A_59 : vector<16xi32> to vector<16xi32>
    %swap3A_61 = vector.shape_cast %add3A_57 : vector<16xi32> to vector<16xi32>
    tpu.vector_store %arg13[%swap3A_58], %swap3A_61 {strides = array<i32>} : memref<784xi32, #tpu.memory_space<vmem>>, vector<16xi32>,
    %add3A_62 = arith.constant 192 : i32
    %add3A_63 = arith.addi %add3A_14, %add3A_62 : i32
    %add3A_64 = vector.broadcast %add3A_63 : i32 to vector<16xi32>
    %add3A_65 = arith.addi %mul3A_10, %add3A_64 : vector<16xi32>
    %swap3A_66 = arith.constant 96 : index
    %swap3A_67 = tpu.vector_load %arg13[%swap3A_66] {strides = array<i32>} : memref<784xi32, #tpu.memory_space<vmem>>, vector<16xi32>,
    %swap3A_68 = vector.shape_cast %swap3A_67 : vector<16xi32> to vector<16xi32>
    %swap3A_69 = vector.shape_cast %add3A_65 : vector<16xi32> to vector<16xi32>
    tpu.vector_store %arg13[%swap3A_66], %swap3A_69 {strides = array<i32>} : memref<784xi32, #tpu.memory_space<vmem>>, vector<16xi32>,
    %add3A_70 = arith.constant 224 : i32
    %add3A_71 = arith.addi %add3A_14, %add3A_70 : i32
    %add3A_72 = vector.broadcast %add3A_71 : i32 to vector<16xi32>
    %add3A_73 = arith.addi %mul3A_10, %add3A_72 : vector<16xi32>
    %swap3A_74 = arith.constant 112 : index
    %swap3A_75 = tpu.vector_load %arg13[%swap3A_74] {strides = array<i32>} : memref<784xi32, #tpu.memory_space<vmem>>, vector<16xi32>,
    %swap3A_76 = vector.shape_cast %swap3A_75 : vector<16xi32> to vector<16xi32>
    %swap3A_77 = vector.shape_cast %add3A_73 : vector<16xi32> to vector<16xi32>
    tpu.vector_store %arg13[%swap3A_74], %swap3A_77 {strides = array<i32>} : memref<784xi32, #tpu.memory_space<vmem>>, vector<16xi32>,
    %add3A_78 = arith.constant 256 : i32
    %add3A_79 = arith.addi %add3A_14, %add3A_78 : i32
    %add3A_80 = vector.broadcast %add3A_79 : i32 to vector<16xi32>
    %add3A_81 = arith.addi %mul3A_10, %add3A_80 : vector<16xi32>
    %swap3A_82 = arith.constant 128 : index
    %swap3A_83 = tpu.vector_load %arg13[%swap3A_82] {strides = array<i32>} : memref<784xi32, #tpu.memory_space<vmem>>, vector<16xi32>,
    %swap3A_84 = vector.shape_cast %swap3A_83 : vector<16xi32> to vector<16xi32>
    %swap3A_85 = vector.shape_cast %add3A_81 : vector<16xi32> to vector<16xi32>
    tpu.vector_store %arg13[%swap3A_82], %swap3A_85 {strides = array<i32>} : memref<784xi32, #tpu.memory_space<vmem>>, vector<16xi32>,
    %add3A_86 = arith.constant 288 : i32
    %add3A_87 = arith.addi %add3A_14, %add3A_86 : i32
    %add3A_88 = vector.broadcast %add3A_87 : i32 to vector<16xi32>
    %add3A_89 = arith.addi %mul3A_10, %add3A_88 : vector<16xi32>
    %swap3A_90 = arith.constant 144 : index
    %swap3A_91 = tpu.vector_load %arg13[%swap3A_90] {strides = array<i32>} : memref<784xi32, #tpu.memory_space<vmem>>, vector<16xi32>,
    %swap3A_92 = vector.shape_cast %swap3A_91 : vector<16xi32> to vector<16xi32>
    %swap3A_93 = vector.shape_cast %add3A_89 : vector<16xi32> to vector<16xi32>
    tpu.vector_store %arg13[%swap3A_90], %swap3A_93 {strides = array<i32>} : memref<784xi32, #tpu.memory_space<vmem>>, vector<16xi32>,
    %add3A_94 = arith.constant 320 : i32
    %add3A_95 = arith.addi %add3A_14, %add3A_94 : i32
    %add3A_96 = vector.broadcast %add3A_95 : i32 to vector<16xi32>
    %add3A_97 = arith.addi %mul3A_10, %add3A_96 : vector<16xi32>
    %swap3A_98 = arith.constant 160 : index
    %swap3A_99 = tpu.vector_load %arg13[%swap3A_98] {strides = array<i32>} : memref<784xi32, #tpu.memory_space<vmem>>, vector<16xi32>,
    %swap3A_100 = vector.shape_cast %swap3A_99 : vector<16xi32> to vector<16xi32>
    %swap3A_101 = vector.shape_cast %add3A_97 : vector<16xi32> to vector<16xi32>
    tpu.vector_store %arg13[%swap3A_98], %swap3A_101 {strides = array<i32>} : memref<784xi32, #tpu.memory_space<vmem>>, vector<16xi32>,
    %add3A_102 = arith.constant 352 : i32
    %add3A_103 = arith.addi %add3A_14, %add3A_102 : i32
    %add3A_104 = vector.broadcast %add3A_103 : i32 to vector<16xi32>
    %add3A_105 = arith.addi %mul3A_10, %add3A_104 : vector<16xi32>
    %swap3A_106 = arith.constant 176 : index
    %swap3A_107 = tpu.vector_load %arg13[%swap3A_106] {strides = array<i32>} : memref<784xi32, #tpu.memory_space<vmem>>, vector<16xi32>,
    %swap3A_108 = vector.shape_cast %swap3A_107 : vector<16xi32> to vector<16xi32>
    %swap3A_109 = vector.shape_cast %add3A_105 : vector<16xi32> to vector<16xi32>
    tpu.vector_store %arg13[%swap3A_106], %swap3A_109 {strides = array<i32>} : memref<784xi32, #tpu.memory_space<vmem>>, vector<16xi32>,
    %add3A_110 = arith.constant 384 : i32
    %add3A_111 = arith.addi %add3A_14, %add3A_110 : i32
    %add3A_112 = vector.broadcast %add3A_111 : i32 to vector<16xi32>
    %add3A_113 = arith.addi %mul3A_10, %add3A_112 : vector<16xi32>
    %swap3A_114 = arith.constant 192 : index
    %swap3A_115 = tpu.vector_load %arg13[%swap3A_114] {strides = array<i32>} : memref<784xi32, #tpu.memory_space<vmem>>, vector<16xi32>,
    %swap3A_116 = vector.shape_cast %swap3A_115 : vector<16xi32> to vector<16xi32>
    %swap3A_117 = vector.shape_cast %add3A_113 : vector<16xi32> to vector<16xi32>
    tpu.vector_store %arg13[%swap3A_114], %swap3A_117 {strides = array<i32>} : memref<784xi32, #tpu.memory_space<vmem>>, vector<16xi32>,
    %add3A_118 = arith.constant 416 : i32
    %add3A_119 = arith.addi %add3A_14, %add3A_118 : i32
    %add3A_120 = vector.broadcast %add3A_119 : i32 to vector<16xi32>
    %add3A_121 = arith.addi %mul3A_10, %add3A_120 : vector<16xi32>
    %swap3A_122 = arith.constant 208 : index
    %swap3A_123 = tpu.vector_load %arg13[%swap3A_122] {strides = array<i32>} : memref<784xi32, #tpu.memory_space<vmem>>, vector<16xi32>,
    %swap3A_124 = vector.shape_cast %swap3A_123 : vector<16xi32> to vector<16xi32>
    %swap3A_125 = vector.shape_cast %add3A_121 : vector<16xi32> to vector<16xi32>
    tpu.vector_store %arg13[%swap3A_122], %swap3A_125 {strides = array<i32>} : memref<784xi32, #tpu.memory_space<vmem>>, vector<16xi32>,
    %add3A_126 = arith.constant 448 : i32
    %add3A_127 = arith.addi %add3A_14, %add3A_126 : i32
    %add3A_128 = vector.broadcast %add3A_127 : i32 to vector<16xi32>
    %add3A_129 = arith.addi %mul3A_10, %add3A_128 : vector<16xi32>
    %swap3A_130 = arith.constant 224 : index
    %swap3A_131 = tpu.vector_load %arg13[%swap3A_130] {strides = array<i32>} : memref<784xi32, #tpu.memory_space<vmem>>, vector<16xi32>,
    %swap3A_132 = vector.shape_cast %swap3A_131 : vector<16xi32> to vector<16xi32>
    %swap3A_133 = vector.shape_cast %add3A_129 : vector<16xi32> to vector<16xi32>
    tpu.vector_store %arg13[%swap3A_130], %swap3A_133 {strides = array<i32>} : memref<784xi32, #tpu.memory_space<vmem>>, vector<16xi32>,
    %add3A_134 = arith.constant 480 : i32
    %add3A_135 = arith.addi %add3A_14, %add3A_134 : i32
    %add3A_136 = vector.broadcast %add3A_135 : i32 to vector<16xi32>
    %add3A_137 = arith.addi %mul3A_10, %add3A_136 : vector<16xi32>
    %swap3A_138 = arith.constant 240 : index
    %swap3A_139 = tpu.vector_load %arg13[%swap3A_138] {strides = array<i32>} : memref<784xi32, #tpu.memory_space<vmem>>, vector<16xi32>,
    %swap3A_140 = vector.shape_cast %swap3A_139 : vector<16xi32> to vector<16xi32>
    %swap3A_141 = vector.shape_cast %add3A_137 : vector<16xi32> to vector<16xi32>
    tpu.vector_store %arg13[%swap3A_138], %swap3A_141 {strides = array<i32>} : memref<784xi32, #tpu.memory_space<vmem>>, vector<16xi32>,
    %add3A_142 = arith.constant 512 : i32
    %add3A_143 = arith.addi %add3A_14, %add3A_142 : i32
    %add3A_144 = vector.broadcast %add3A_143 : i32 to vector<16xi32>
    %add3A_145 = arith.addi %mul3A_10, %add3A_144 : vector<16xi32>
    %swap3A_146 = arith.constant 256 : index
    %swap3A_147 = tpu.vector_load %arg13[%swap3A_146] {strides = array<i32>} : memref<784xi32, #tpu.memory_space<vmem>>, vector<16xi32>,
    %swap3A_148 = vector.shape_cast %swap3A_147 : vector<16xi32> to vector<16xi32>
    %swap3A_149 = vector.shape_cast %add3A_145 : vector<16xi32> to vector<16xi32>
    tpu.vector_store %arg13[%swap3A_146], %swap3A_149 {strides = array<i32>} : memref<784xi32, #tpu.memory_space<vmem>>, vector<16xi32>,
    %add3A_150 = arith.constant 544 : i32
    %add3A_151 = arith.addi %add3A_14, %add3A_150 : i32
    %add3A_152 = vector.broadcast %add3A_151 : i32 to vector<16xi32>
    %add3A_153 = arith.addi %mul3A_10, %add3A_152 : vector<16xi32>
    %swap3A_154 = arith.constant 272 : index
    %swap3A_155 = tpu.vector_load %arg13[%swap3A_154] {strides = array<i32>} : memref<784xi32, #tpu.memory_space<vmem>>, vector<16xi32>,
    %swap3A_156 = vector.shape_cast %swap3A_155 : vector<16xi32> to vector<16xi32>
    %swap3A_157 = vector.shape_cast %add3A_153 : vector<16xi32> to vector<16xi32>
    tpu.vector_store %arg13[%swap3A_154], %swap3A_157 {strides = array<i32>} : memref<784xi32, #tpu.memory_space<vmem>>, vector<16xi32>,
    %add3A_158 = arith.constant 576 : i32
    %add3A_159 = arith.addi %add3A_14, %add3A_158 : i32
    %add3A_160 = vector.broadcast %add3A_159 : i32 to vector<16xi32>
    %add3A_161 = arith.addi %mul3A_10, %add3A_160 : vector<16xi32>
    %swap3A_162 = arith.constant 288 : index
    %swap3A_163 = tpu.vector_load %arg13[%swap3A_162] {strides = array<i32>} : memref<784xi32, #tpu.memory_space<vmem>>, vector<16xi32>,
    %swap3A_164 = vector.shape_cast %swap3A_163 : vector<16xi32> to vector<16xi32>
    %swap3A_165 = vector.shape_cast %add3A_161 : vector<16xi32> to vector<16xi32>
    tpu.vector_store %arg13[%swap3A_162], %swap3A_165 {strides = array<i32>} : memref<784xi32, #tpu.memory_space<vmem>>, vector<16xi32>,
    %add3A_166 = arith.constant 608 : i32
    %add3A_167 = arith.addi %add3A_14, %add3A_166 : i32
    %add3A_168 = vector.broadcast %add3A_167 : i32 to vector<16xi32>
    %add3A_169 = arith.addi %mul3A_10, %add3A_168 : vector<16xi32>
    %swap3A_170 = arith.constant 304 : index
    %swap3A_171 = tpu.vector_load %arg13[%swap3A_170] {strides = array<i32>} : memref<784xi32, #tpu.memory_space<vmem>>, vector<16xi32>,
    %swap3A_172 = vector.shape_cast %swap3A_171 : vector<16xi32> to vector<16xi32>
    %swap3A_173 = vector.shape_cast %add3A_169 : vector<16xi32> to vector<16xi32>
    tpu.vector_store %arg13[%swap3A_170], %swap3A_173 {strides = array<i32>} : memref<784xi32, #tpu.memory_space<vmem>>, vector<16xi32>,
    %add3A_174 = arith.constant 640 : i32
    %add3A_175 = arith.addi %add3A_14, %add3A_174 : i32
    %add3A_176 = vector.broadcast %add3A_175 : i32 to vector<16xi32>
    %add3A_177 = arith.addi %mul3A_10, %add3A_176 : vector<16xi32>
    %swap3A_178 = arith.constant 320 : index
    %swap3A_179 = tpu.vector_load %arg13[%swap3A_178] {strides = array<i32>} : memref<784xi32, #tpu.memory_space<vmem>>, vector<16xi32>,
    %swap3A_180 = vector.shape_cast %swap3A_179 : vector<16xi32> to vector<16xi32>
    %swap3A_181 = vector.shape_cast %add3A_177 : vector<16xi32> to vector<16xi32>
    tpu.vector_store %arg13[%swap3A_178], %swap3A_181 {strides = array<i32>} : memref<784xi32, #tpu.memory_space<vmem>>, vector<16xi32>,
    %add3A_182 = arith.constant 672 : i32
    %add3A_183 = arith.addi %add3A_14, %add3A_182 : i32
    %add3A_184 = vector.broadcast %add3A_183 : i32 to vector<16xi32>
    %add3A_185 = arith.addi %mul3A_10, %add3A_184 : vector<16xi32>
    %swap3A_186 = arith.constant 336 : index
    %swap3A_187 = tpu.vector_load %arg13[%swap3A_186] {strides = array<i32>} : memref<784xi32, #tpu.memory_space<vmem>>, vector<16xi32>,
    %swap3A_188 = vector.shape_cast %swap3A_187 : vector<16xi32> to vector<16xi32>
    %swap3A_189 = vector.shape_cast %add3A_185 : vector<16xi32> to vector<16xi32>
    tpu.vector_store %arg13[%swap3A_186], %swap3A_189 {strides = array<i32>} : memref<784xi32, #tpu.memory_space<vmem>>, vector<16xi32>,
    %add3A_190 = arith.constant 704 : i32
    %add3A_191 = arith.addi %add3A_14, %add3A_190 : i32
    %add3A_192 = vector.broadcast %add3A_191 : i32 to vector<16xi32>
    %add3A_193 = arith.addi %mul3A_10, %add3A_192 : vector<16xi32>
    %swap3A_194 = arith.constant 352 : index
    %swap3A_195 = tpu.vector_load %arg13[%swap3A_194] {strides = array<i32>} : memref<784xi32, #tpu.memory_space<vmem>>, vector<16xi32>,
    %swap3A_196 = vector.shape_cast %swap3A_195 : vector<16xi32> to vector<16xi32>
    %swap3A_197 = vector.shape_cast %add3A_193 : vector<16xi32> to vector<16xi32>
    tpu.vector_store %arg13[%swap3A_194], %swap3A_197 {strides = array<i32>} : memref<784xi32, #tpu.memory_space<vmem>>, vector<16xi32>,
    %add3A_198 = arith.constant 736 : i32
    %add3A_199 = arith.addi %add3A_14, %add3A_198 : i32
    %add3A_200 = vector.broadcast %add3A_199 : i32 to vector<16xi32>
    %add3A_201 = arith.addi %mul3A_10, %add3A_200 : vector<16xi32>
    %swap3A_202 = arith.constant 368 : index
    %swap3A_203 = tpu.vector_load %arg13[%swap3A_202] {strides = array<i32>} : memref<784xi32, #tpu.memory_space<vmem>>, vector<16xi32>,
    %swap3A_204 = vector.shape_cast %swap3A_203 : vector<16xi32> to vector<16xi32>
    %swap3A_205 = vector.shape_cast %add3A_201 : vector<16xi32> to vector<16xi32>
    tpu.vector_store %arg13[%swap3A_202], %swap3A_205 {strides = array<i32>} : memref<784xi32, #tpu.memory_space<vmem>>, vector<16xi32>,
    %add3A_206 = arith.constant 768 : i32
    %add3A_207 = arith.addi %add3A_14, %add3A_206 : i32
    %add3A_208 = vector.broadcast %add3A_207 : i32 to vector<16xi32>
    %add3A_209 = arith.addi %mul3A_10, %add3A_208 : vector<16xi32>
    %swap3A_210 = arith.constant 384 : index
    %swap3A_211 = tpu.vector_load %arg13[%swap3A_210] {strides = array<i32>} : memref<784xi32, #tpu.memory_space<vmem>>, vector<16xi32>,
    %swap3A_212 = vector.shape_cast %swap3A_211 : vector<16xi32> to vector<16xi32>
    %swap3A_213 = vector.shape_cast %add3A_209 : vector<16xi32> to vector<16xi32>
    tpu.vector_store %arg13[%swap3A_210], %swap3A_213 {strides = array<i32>} : memref<784xi32, #tpu.memory_space<vmem>>, vector<16xi32>,
    %add3A_214 = arith.constant 800 : i32
    %add3A_215 = arith.addi %add3A_14, %add3A_214 : i32
    %add3A_216 = vector.broadcast %add3A_215 : i32 to vector<16xi32>
    %add3A_217 = arith.addi %mul3A_10, %add3A_216 : vector<16xi32>
    %swap3A_218 = arith.constant 400 : index
    %swap3A_219 = tpu.vector_load %arg13[%swap3A_218] {strides = array<i32>} : memref<784xi32, #tpu.memory_space<vmem>>, vector<16xi32>,
    %swap3A_220 = vector.shape_cast %swap3A_219 : vector<16xi32> to vector<16xi32>
    %swap3A_221 = vector.shape_cast %add3A_217 : vector<16xi32> to vector<16xi32>
    tpu.vector_store %arg13[%swap3A_218], %swap3A_221 {strides = array<i32>} : memref<784xi32, #tpu.memory_space<vmem>>, vector<16xi32>,
    %add3A_222 = arith.constant 832 : i32
    %add3A_223 = arith.addi %add3A_14, %add3A_222 : i32
    %add3A_224 = vector.broadcast %add3A_223 : i32 to vector<16xi32>
    %add3A_225 = arith.addi %mul3A_10, %add3A_224 : vector<16xi32>
    %swap3A_226 = arith.constant 416 : index
    %swap3A_227 = tpu.vector_load %arg13[%swap3A_226] {strides = array<i32>} : memref<784xi32, #tpu.memory_space<vmem>>, vector<16xi32>,
    %swap3A_228 = vector.shape_cast %swap3A_227 : vector<16xi32> to vector<16xi32>
    %swap3A_229 = vector.shape_cast %add3A_225 : vector<16xi32> to vector<16xi32>
    tpu.vector_store %arg13[%swap3A_226], %swap3A_229 {strides = array<i32>} : memref<784xi32, #tpu.memory_space<vmem>>, vector<16xi32>,
    %add3A_230 = arith.constant 864 : i32
    %add3A_231 = arith.addi %add3A_14, %add3A_230 : i32
    %add3A_232 = vector.broadcast %add3A_231 : i32 to vector<16xi32>
    %add3A_233 = arith.addi %mul3A_10, %add3A_232 : vector<16xi32>
    %swap3A_234 = arith.constant 432 : index
    %swap3A_235 = tpu.vector_load %arg13[%swap3A_234] {strides = array<i32>} : memref<784xi32, #tpu.memory_space<vmem>>, vector<16xi32>,
    %swap3A_236 = vector.shape_cast %swap3A_235 : vector<16xi32> to vector<16xi32>
    %swap3A_237 = vector.shape_cast %add3A_233 : vector<16xi32> to vector<16xi32>
    tpu.vector_store %arg13[%swap3A_234], %swap3A_237 {strides = array<i32>} : memref<784xi32, #tpu.memory_space<vmem>>, vector<16xi32>,
    %add3A_238 = arith.constant 896 : i32
    %add3A_239 = arith.addi %add3A_14, %add3A_238 : i32
    %add3A_240 = vector.broadcast %add3A_239 : i32 to vector<16xi32>
    %add3A_241 = arith.addi %mul3A_10, %add3A_240 : vector<16xi32>
    %swap3A_242 = arith.constant 448 : index
    %swap3A_243 = tpu.vector_load %arg13[%swap3A_242] {strides = array<i32>} : memref<784xi32, #tpu.memory_space<vmem>>, vector<16xi32>,
    %swap3A_244 = vector.shape_cast %swap3A_243 : vector<16xi32> to vector<16xi32>
    %swap3A_245 = vector.shape_cast %add3A_241 : vector<16xi32> to vector<16xi32>
    tpu.vector_store %arg13[%swap3A_242], %swap3A_245 {strides = array<i32>} : memref<784xi32, #tpu.memory_space<vmem>>, vector<16xi32>,
    %add3A_246 = arith.constant 928 : i32
    %add3A_247 = arith.addi %add3A_14, %add3A_246 : i32
    %add3A_248 = vector.broadcast %add3A_247 : i32 to vector<16xi32>
    %add3A_249 = arith.addi %mul3A_10, %add3A_248 : vector<16xi32>
    %swap3A_250 = arith.constant 464 : index
    %swap3A_251 = tpu.vector_load %arg13[%swap3A_250] {strides = array<i32>} : memref<784xi32, #tpu.memory_space<vmem>>, vector<16xi32>,
    %swap3A_252 = vector.shape_cast %swap3A_251 : vector<16xi32> to vector<16xi32>
    %swap3A_253 = vector.shape_cast %add3A_249 : vector<16xi32> to vector<16xi32>
    tpu.vector_store %arg13[%swap3A_250], %swap3A_253 {strides = array<i32>} : memref<784xi32, #tpu.memory_space<vmem>>, vector<16xi32>,
    %add3A_254 = arith.constant 960 : i32
    %add3A_255 = arith.addi %add3A_14, %add3A_254 : i32
    %add3A_256 = vector.broadcast %add3A_255 : i32 to vector<16xi32>
    %add3A_257 = arith.addi %mul3A_10, %add3A_256 : vector<16xi32>
    %swap3A_258 = arith.constant 480 : index
    %swap3A_259 = tpu.vector_load %arg13[%swap3A_258] {strides = array<i32>} : memref<784xi32, #tpu.memory_space<vmem>>, vector<16xi32>,
    %swap3A_260 = vector.shape_cast %swap3A_259 : vector<16xi32> to vector<16xi32>
    %swap3A_261 = vector.shape_cast %add3A_257 : vector<16xi32> to vector<16xi32>
    tpu.vector_store %arg13[%swap3A_258], %swap3A_261 {strides = array<i32>} : memref<784xi32, #tpu.memory_space<vmem>>, vector<16xi32>,
    %add3A_262 = arith.constant 992 : i32
    %add3A_263 = arith.addi %add3A_14, %add3A_262 : i32
    %add3A_264 = vector.broadcast %add3A_263 : i32 to vector<16xi32>
    %add3A_265 = arith.addi %mul3A_10, %add3A_264 : vector<16xi32>
    %swap3A_266 = arith.constant 496 : index
    %swap3A_267 = tpu.vector_load %arg13[%swap3A_266] {strides = array<i32>} : memref<784xi32, #tpu.memory_space<vmem>>, vector<16xi32>,
    %swap3A_268 = vector.shape_cast %swap3A_267 : vector<16xi32> to vector<16xi32>
    %swap3A_269 = vector.shape_cast %add3A_265 : vector<16xi32> to vector<16xi32>
    tpu.vector_store %arg13[%swap3A_266], %swap3A_269 {strides = array<i32>} : memref<784xi32, #tpu.memory_space<vmem>>, vector<16xi32>,
    %add3A_270 = arith.constant 1024 : i32
    %add3A_271 = arith.addi %add3A_14, %add3A_270 : i32
    %add3A_272 = vector.broadcast %add3A_271 : i32 to vector<16xi32>
    %add3A_273 = arith.addi %mul3A_10, %add3A_272 : vector<16xi32>
    %swap3A_274 = arith.constant 512 : index
    %swap3A_275 = tpu.vector_load %arg13[%swap3A_274] {strides = array<i32>} : memref<784xi32, #tpu.memory_space<vmem>>, vector<16xi32>,
    %swap3A_276 = vector.shape_cast %swap3A_275 : vector<16xi32> to vector<16xi32>
    %swap3A_277 = vector.shape_cast %add3A_273 : vector<16xi32> to vector<16xi32>
    tpu.vector_store %arg13[%swap3A_274], %swap3A_277 {strides = array<i32>} : memref<784xi32, #tpu.memory_space<vmem>>, vector<16xi32>,
    %add3A_278 = arith.constant 1056 : i32
    %add3A_279 = arith.addi %add3A_14, %add3A_278 : i32
    %add3A_280 = vector.broadcast %add3A_279 : i32 to vector<16xi32>
    %add3A_281 = arith.addi %mul3A_10, %add3A_280 : vector<16xi32>
    %swap3A_282 = arith.constant 528 : index
    %swap3A_283 = tpu.vector_load %arg13[%swap3A_282] {strides = array<i32>} : memref<784xi32, #tpu.memory_space<vmem>>, vector<16xi32>,
    %swap3A_284 = vector.shape_cast %swap3A_283 : vector<16xi32> to vector<16xi32>
    %swap3A_285 = vector.shape_cast %add3A_281 : vector<16xi32> to vector<16xi32>
    tpu.vector_store %arg13[%swap3A_282], %swap3A_285 {strides = array<i32>} : memref<784xi32, #tpu.memory_space<vmem>>, vector<16xi32>,
    %add3A_286 = arith.constant 1088 : i32
    %add3A_287 = arith.addi %add3A_14, %add3A_286 : i32
    %add3A_288 = vector.broadcast %add3A_287 : i32 to vector<16xi32>
    %add3A_289 = arith.addi %mul3A_10, %add3A_288 : vector<16xi32>
    %swap3A_290 = arith.constant 544 : index
    %swap3A_291 = tpu.vector_load %arg13[%swap3A_290] {strides = array<i32>} : memref<784xi32, #tpu.memory_space<vmem>>, vector<16xi32>,
    %swap3A_292 = vector.shape_cast %swap3A_291 : vector<16xi32> to vector<16xi32>
    %swap3A_293 = vector.shape_cast %add3A_289 : vector<16xi32> to vector<16xi32>
    tpu.vector_store %arg13[%swap3A_290], %swap3A_293 {strides = array<i32>} : memref<784xi32, #tpu.memory_space<vmem>>, vector<16xi32>,
    %add3A_294 = arith.constant 1120 : i32
    %add3A_295 = arith.addi %add3A_14, %add3A_294 : i32
    %add3A_296 = vector.broadcast %add3A_295 : i32 to vector<16xi32>
    %add3A_297 = arith.addi %mul3A_10, %add3A_296 : vector<16xi32>
    %swap3A_298 = arith.constant 560 : index
    %swap3A_299 = tpu.vector_load %arg13[%swap3A_298] {strides = array<i32>} : memref<784xi32, #tpu.memory_space<vmem>>, vector<16xi32>,
    %swap3A_300 = vector.shape_cast %swap3A_299 : vector<16xi32> to vector<16xi32>
    %swap3A_301 = vector.shape_cast %add3A_297 : vector<16xi32> to vector<16xi32>
    tpu.vector_store %arg13[%swap3A_298], %swap3A_301 {strides = array<i32>} : memref<784xi32, #tpu.memory_space<vmem>>, vector<16xi32>,
    %add3A_302 = arith.constant 1152 : i32
    %add3A_303 = arith.addi %add3A_14, %add3A_302 : i32
    %add3A_304 = vector.broadcast %add3A_303 : i32 to vector<16xi32>
    %add3A_305 = arith.addi %mul3A_10, %add3A_304 : vector<16xi32>
    %swap3A_306 = arith.constant 576 : index
    %swap3A_307 = tpu.vector_load %arg13[%swap3A_306] {strides = array<i32>} : memref<784xi32, #tpu.memory_space<vmem>>, vector<16xi32>,
    %swap3A_308 = vector.shape_cast %swap3A_307 : vector<16xi32> to vector<16xi32>
    %swap3A_309 = vector.shape_cast %add3A_305 : vector<16xi32> to vector<16xi32>
    tpu.vector_store %arg13[%swap3A_306], %swap3A_309 {strides = array<i32>} : memref<784xi32, #tpu.memory_space<vmem>>, vector<16xi32>,
    %add3A_310 = arith.constant 1184 : i32
    %add3A_311 = arith.addi %add3A_14, %add3A_310 : i32
    %add3A_312 = vector.broadcast %add3A_311 : i32 to vector<16xi32>
    %add3A_313 = arith.addi %mul3A_10, %add3A_312 : vector<16xi32>
    %swap3A_314 = arith.constant 592 : index
    %swap3A_315 = tpu.vector_load %arg13[%swap3A_314] {strides = array<i32>} : memref<784xi32, #tpu.memory_space<vmem>>, vector<16xi32>,
    %swap3A_316 = vector.shape_cast %swap3A_315 : vector<16xi32> to vector<16xi32>
    %swap3A_317 = vector.shape_cast %add3A_313 : vector<16xi32> to vector<16xi32>
    tpu.vector_store %arg13[%swap3A_314], %swap3A_317 {strides = array<i32>} : memref<784xi32, #tpu.memory_space<vmem>>, vector<16xi32>,
    %add3A_318 = arith.constant 1216 : i32
    %add3A_319 = arith.addi %add3A_14, %add3A_318 : i32
    %add3A_320 = vector.broadcast %add3A_319 : i32 to vector<16xi32>
    %add3A_321 = arith.addi %mul3A_10, %add3A_320 : vector<16xi32>
    %swap3A_322 = arith.constant 608 : index
    %swap3A_323 = tpu.vector_load %arg13[%swap3A_322] {strides = array<i32>} : memref<784xi32, #tpu.memory_space<vmem>>, vector<16xi32>,
    %swap3A_324 = vector.shape_cast %swap3A_323 : vector<16xi32> to vector<16xi32>
    %swap3A_325 = vector.shape_cast %add3A_321 : vector<16xi32> to vector<16xi32>
    tpu.vector_store %arg13[%swap3A_322], %swap3A_325 {strides = array<i32>} : memref<784xi32, #tpu.memory_space<vmem>>, vector<16xi32>,
    %add3A_326 = arith.constant 1248 : i32
    %add3A_327 = arith.addi %add3A_14, %add3A_326 : i32
    %add3A_328 = vector.broadcast %add3A_327 : i32 to vector<16xi32>
    %add3A_329 = arith.addi %mul3A_10, %add3A_328 : vector<16xi32>
    %swap3A_330 = arith.constant 624 : index
    %swap3A_331 = tpu.vector_load %arg13[%swap3A_330] {strides = array<i32>} : memref<784xi32, #tpu.memory_space<vmem>>, vector<16xi32>,
    %swap3A_332 = vector.shape_cast %swap3A_331 : vector<16xi32> to vector<16xi32>
    %swap3A_333 = vector.shape_cast %add3A_329 : vector<16xi32> to vector<16xi32>
    tpu.vector_store %arg13[%swap3A_330], %swap3A_333 {strides = array<i32>} : memref<784xi32, #tpu.memory_space<vmem>>, vector<16xi32>,
    %add3A_334 = arith.constant 1280 : i32
    %add3A_335 = arith.addi %add3A_14, %add3A_334 : i32
    %add3A_336 = vector.broadcast %add3A_335 : i32 to vector<16xi32>
    %add3A_337 = arith.addi %mul3A_10, %add3A_336 : vector<16xi32>
    %swap3A_338 = arith.constant 640 : index
    %swap3A_339 = tpu.vector_load %arg13[%swap3A_338] {strides = array<i32>} : memref<784xi32, #tpu.memory_space<vmem>>, vector<16xi32>,
    %swap3A_340 = vector.shape_cast %swap3A_339 : vector<16xi32> to vector<16xi32>
    %swap3A_341 = vector.shape_cast %add3A_337 : vector<16xi32> to vector<16xi32>
    tpu.vector_store %arg13[%swap3A_338], %swap3A_341 {strides = array<i32>} : memref<784xi32, #tpu.memory_space<vmem>>, vector<16xi32>,
    %add3A_342 = arith.constant 1312 : i32
    %add3A_343 = arith.addi %add3A_14, %add3A_342 : i32
    %add3A_344 = vector.broadcast %add3A_343 : i32 to vector<16xi32>
    %add3A_345 = arith.addi %mul3A_10, %add3A_344 : vector<16xi32>
    %swap3A_346 = arith.constant 656 : index
    %swap3A_347 = tpu.vector_load %arg13[%swap3A_346] {strides = array<i32>} : memref<784xi32, #tpu.memory_space<vmem>>, vector<16xi32>,
    %swap3A_348 = vector.shape_cast %swap3A_347 : vector<16xi32> to vector<16xi32>
    %swap3A_349 = vector.shape_cast %add3A_345 : vector<16xi32> to vector<16xi32>
    tpu.vector_store %arg13[%swap3A_346], %swap3A_349 {strides = array<i32>} : memref<784xi32, #tpu.memory_space<vmem>>, vector<16xi32>,
    %add3A_350 = arith.constant 1344 : i32
    %add3A_351 = arith.addi %add3A_14, %add3A_350 : i32
    %add3A_352 = vector.broadcast %add3A_351 : i32 to vector<16xi32>
    %add3A_353 = arith.addi %mul3A_10, %add3A_352 : vector<16xi32>
    %swap3A_354 = arith.constant 672 : index
    %swap3A_355 = tpu.vector_load %arg13[%swap3A_354] {strides = array<i32>} : memref<784xi32, #tpu.memory_space<vmem>>, vector<16xi32>,
    %swap3A_356 = vector.shape_cast %swap3A_355 : vector<16xi32> to vector<16xi32>
    %swap3A_357 = vector.shape_cast %add3A_353 : vector<16xi32> to vector<16xi32>
    tpu.vector_store %arg13[%swap3A_354], %swap3A_357 {strides = array<i32>} : memref<784xi32, #tpu.memory_space<vmem>>, vector<16xi32>,
    %add3A_358 = arith.constant 1376 : i32
    %add3A_359 = arith.addi %add3A_14, %add3A_358 : i32
    %add3A_360 = vector.broadcast %add3A_359 : i32 to vector<16xi32>
    %add3A_361 = arith.addi %mul3A_10, %add3A_360 : vector<16xi32>
    %swap3A_362 = arith.constant 688 : index
    %swap3A_363 = tpu.vector_load %arg13[%swap3A_362] {strides = array<i32>} : memref<784xi32, #tpu.memory_space<vmem>>, vector<16xi32>,
    %swap3A_364 = vector.shape_cast %swap3A_363 : vector<16xi32> to vector<16xi32>
    %swap3A_365 = vector.shape_cast %add3A_361 : vector<16xi32> to vector<16xi32>
    tpu.vector_store %arg13[%swap3A_362], %swap3A_365 {strides = array<i32>} : memref<784xi32, #tpu.memory_space<vmem>>, vector<16xi32>,
    %add3A_366 = arith.constant 1408 : i32
    %add3A_367 = arith.addi %add3A_14, %add3A_366 : i32
    %add3A_368 = vector.broadcast %add3A_367 : i32 to vector<16xi32>
    %add3A_369 = arith.addi %mul3A_10, %add3A_368 : vector<16xi32>
    %swap3A_370 = arith.constant 704 : index
    %swap3A_371 = tpu.vector_load %arg13[%swap3A_370] {strides = array<i32>} : memref<784xi32, #tpu.memory_space<vmem>>, vector<16xi32>,
    %swap3A_372 = vector.shape_cast %swap3A_371 : vector<16xi32> to vector<16xi32>
    %swap3A_373 = vector.shape_cast %add3A_369 : vector<16xi32> to vector<16xi32>
    tpu.vector_store %arg13[%swap3A_370], %swap3A_373 {strides = array<i32>} : memref<784xi32, #tpu.memory_space<vmem>>, vector<16xi32>,
    %add3A_374 = arith.constant 1440 : i32
    %add3A_375 = arith.addi %add3A_14, %add3A_374 : i32
    %add3A_376 = vector.broadcast %add3A_375 : i32 to vector<16xi32>
    %add3A_377 = arith.addi %mul3A_10, %add3A_376 : vector<16xi32>
    %swap3A_378 = arith.constant 720 : index
    %swap3A_379 = tpu.vector_load %arg13[%swap3A_378] {strides = array<i32>} : memref<784xi32, #tpu.memory_space<vmem>>, vector<16xi32>,
    %swap3A_380 = vector.shape_cast %swap3A_379 : vector<16xi32> to vector<16xi32>
    %swap3A_381 = vector.shape_cast %add3A_377 : vector<16xi32> to vector<16xi32>
    tpu.vector_store %arg13[%swap3A_378], %swap3A_381 {strides = array<i32>} : memref<784xi32, #tpu.memory_space<vmem>>, vector<16xi32>,
    %add3A_382 = arith.constant 1472 : i32
    %add3A_383 = arith.addi %add3A_14, %add3A_382 : i32
    %add3A_384 = vector.broadcast %add3A_383 : i32 to vector<16xi32>
    %add3A_385 = arith.addi %mul3A_10, %add3A_384 : vector<16xi32>
    %swap3A_386 = arith.constant 736 : index
    %swap3A_387 = tpu.vector_load %arg13[%swap3A_386] {strides = array<i32>} : memref<784xi32, #tpu.memory_space<vmem>>, vector<16xi32>,
    %swap3A_388 = vector.shape_cast %swap3A_387 : vector<16xi32> to vector<16xi32>
    %swap3A_389 = vector.shape_cast %add3A_385 : vector<16xi32> to vector<16xi32>
    tpu.vector_store %arg13[%swap3A_386], %swap3A_389 {strides = array<i32>} : memref<784xi32, #tpu.memory_space<vmem>>, vector<16xi32>,
    %add3A_390 = arith.constant 1504 : i32
    %add3A_391 = arith.addi %add3A_14, %add3A_390 : i32
    %add3A_392 = vector.broadcast %add3A_391 : i32 to vector<16xi32>
    %add3A_393 = arith.addi %mul3A_10, %add3A_392 : vector<16xi32>
    %swap3A_394 = arith.constant 752 : index
    %swap3A_395 = tpu.vector_load %arg13[%swap3A_394] {strides = array<i32>} : memref<784xi32, #tpu.memory_space<vmem>>, vector<16xi32>,
    %swap3A_396 = vector.shape_cast %swap3A_395 : vector<16xi32> to vector<16xi32>
    %swap3A_397 = vector.shape_cast %add3A_393 : vector<16xi32> to vector<16xi32>
    tpu.vector_store %arg13[%swap3A_394], %swap3A_397 {strides = array<i32>} : memref<784xi32, #tpu.memory_space<vmem>>, vector<16xi32>,
    %add3A_398 = arith.constant 1536 : i32
    %add3A_399 = arith.addi %add3A_14, %add3A_398 : i32
    %add3A_400 = vector.broadcast %add3A_399 : i32 to vector<16xi32>
    %add3A_401 = arith.addi %mul3A_10, %add3A_400 : vector<16xi32>
    %swap3A_402 = arith.constant 768 : index
    %swap3A_403 = tpu.vector_load %arg13[%swap3A_402] {strides = array<i32>} : memref<784xi32, #tpu.memory_space<vmem>>, vector<16xi32>,
    %swap3A_404 = vector.shape_cast %swap3A_403 : vector<16xi32> to vector<16xi32>
    %swap3A_405 = vector.shape_cast %add3A_401 : vector<16xi32> to vector<16xi32>
    tpu.vector_store %arg13[%swap3A_402], %swap3A_405 {strides = array<i32>} : memref<784xi32, #tpu.memory_space<vmem>>, vector<16xi32>,
    %iota3A_406 = tpu.iota {dimensions = array<i32: 0>} : vector<16xi32>
    %mul3A_407 = arith.constant 2 : i32
    %mul3A_408 = vector.broadcast %mul3A_407 : i32 to vector<16xi32>
    %mul3A_409 = arith.muli %iota3A_406, %mul3A_408 : vector<16xi32>
    %mul3A_410 = arith.constant 2 : i32
    %mul3A_411 = arith.muli %min3A_3, %mul3A_410 : i32
    %add3A_412 = arith.constant 1 : i32
    %add3A_413 = arith.addi %mul3A_411, %add3A_412 : i32
    %add3A_414 = arith.constant 0 : i32
    %add3A_415 = arith.addi %add3A_413, %add3A_414 : i32
    %add3A_416 = vector.broadcast %add3A_415 : i32 to vector<16xi32>
    %add3A_417 = arith.addi %mul3A_409, %add3A_416 : vector<16xi32>
    %swap3A_418 = arith.constant 0 : index
    %swap3A_419 = tpu.vector_load %arg14[%swap3A_418] {strides = array<i32>} : memref<784xi32, #tpu.memory_space<vmem>>, vector<16xi32>,
    %swap3A_420 = vector.shape_cast %swap3A_419 : vector<16xi32> to vector<16xi32>
    %swap3A_421 = vector.shape_cast %add3A_417 : vector<16xi32> to vector<16xi32>
    tpu.vector_store %arg14[%swap3A_418], %swap3A_421 {strides = array<i32>} : memref<784xi32, #tpu.memory_space<vmem>>, vector<16xi32>,
    %add3A_422 = arith.constant 32 : i32
    %add3A_423 = arith.addi %add3A_413, %add3A_422 : i32
    %add3A_424 = vector.broadcast %add3A_423 : i32 to vector<16xi32>
    %add3A_425 = arith.addi %mul3A_409, %add3A_424 : vector<16xi32>
    %swap3A_426 = arith.constant 16 : index
    %swap3A_427 = tpu.vector_load %arg14[%swap3A_426] {strides = array<i32>} : memref<784xi32, #tpu.memory_space<vmem>>, vector<16xi32>,
    %swap3A_428 = vector.shape_cast %swap3A_427 : vector<16xi32> to vector<16xi32>
    %swap3A_429 = vector.shape_cast %add3A_425 : vector<16xi32> to vector<16xi32>
    tpu.vector_store %arg14[%swap3A_426], %swap3A_429 {strides = array<i32>} : memref<784xi32, #tpu.memory_space<vmem>>, vector<16xi32>,
    %add3A_430 = arith.constant 64 : i32
    %add3A_431 = arith.addi %add3A_413, %add3A_430 : i32
    %add3A_432 = vector.broadcast %add3A_431 : i32 to vector<16xi32>
    %add3A_433 = arith.addi %mul3A_409, %add3A_432 : vector<16xi32>
    %swap3A_434 = arith.constant 32 : index
    %swap3A_435 = tpu.vector_load %arg14[%swap3A_434] {strides = array<i32>} : memref<784xi32, #tpu.memory_space<vmem>>, vector<16xi32>,
    %swap3A_436 = vector.shape_cast %swap3A_435 : vector<16xi32> to vector<16xi32>
    %swap3A_437 = vector.shape_cast %add3A_433 : vector<16xi32> to vector<16xi32>
    tpu.vector_store %arg14[%swap3A_434], %swap3A_437 {strides = array<i32>} : memref<784xi32, #tpu.memory_space<vmem>>, vector<16xi32>,
    %add3A_438 = arith.constant 96 : i32
    %add3A_439 = arith.addi %add3A_413, %add3A_438 : i32
    %add3A_440 = vector.broadcast %add3A_439 : i32 to vector<16xi32>
    %add3A_441 = arith.addi %mul3A_409, %add3A_440 : vector<16xi32>
    %swap3A_442 = arith.constant 48 : index
    %swap3A_443 = tpu.vector_load %arg14[%swap3A_442] {strides = array<i32>} : memref<784xi32, #tpu.memory_space<vmem>>, vector<16xi32>,
    %swap3A_444 = vector.shape_cast %swap3A_443 : vector<16xi32> to vector<16xi32>
    %swap3A_445 = vector.shape_cast %add3A_441 : vector<16xi32> to vector<16xi32>
    tpu.vector_store %arg14[%swap3A_442], %swap3A_445 {strides = array<i32>} : memref<784xi32, #tpu.memory_space<vmem>>, vector<16xi32>,
    %add3A_446 = arith.constant 128 : i32
    %add3A_447 = arith.addi %add3A_413, %add3A_446 : i32
    %add3A_448 = vector.broadcast %add3A_447 : i32 to vector<16xi32>
    %add3A_449 = arith.addi %mul3A_409, %add3A_448 : vector<16xi32>
    %swap3A_450 = arith.constant 64 : index
    %swap3A_451 = tpu.vector_load %arg14[%swap3A_450] {strides = array<i32>} : memref<784xi32, #tpu.memory_space<vmem>>, vector<16xi32>,
    %swap3A_452 = vector.shape_cast %swap3A_451 : vector<16xi32> to vector<16xi32>
    %swap3A_453 = vector.shape_cast %add3A_449 : vector<16xi32> to vector<16xi32>
    tpu.vector_store %arg14[%swap3A_450], %swap3A_453 {strides = array<i32>} : memref<784xi32, #tpu.memory_space<vmem>>, vector<16xi32>,
    %add3A_454 = arith.constant 160 : i32
    %add3A_455 = arith.addi %add3A_413, %add3A_454 : i32
    %add3A_456 = vector.broadcast %add3A_455 : i32 to vector<16xi32>
    %add3A_457 = arith.addi %mul3A_409, %add3A_456 : vector<16xi32>
    %swap3A_458 = arith.constant 80 : index
    %swap3A_459 = tpu.vector_load %arg14[%swap3A_458] {strides = array<i32>} : memref<784xi32, #tpu.memory_space<vmem>>, vector<16xi32>,
    %swap3A_460 = vector.shape_cast %swap3A_459 : vector<16xi32> to vector<16xi32>
    %swap3A_461 = vector.shape_cast %add3A_457 : vector<16xi32> to vector<16xi32>
    tpu.vector_store %arg14[%swap3A_458], %swap3A_461 {strides = array<i32>} : memref<784xi32, #tpu.memory_space<vmem>>, vector<16xi32>,
    %add3A_462 = arith.constant 192 : i32
    %add3A_463 = arith.addi %add3A_413, %add3A_462 : i32
    %add3A_464 = vector.broadcast %add3A_463 : i32 to vector<16xi32>
    %add3A_465 = arith.addi %mul3A_409, %add3A_464 : vector<16xi32>
    %swap3A_466 = arith.constant 96 : index
    %swap3A_467 = tpu.vector_load %arg14[%swap3A_466] {strides = array<i32>} : memref<784xi32, #tpu.memory_space<vmem>>, vector<16xi32>,
    %swap3A_468 = vector.shape_cast %swap3A_467 : vector<16xi32> to vector<16xi32>
    %swap3A_469 = vector.shape_cast %add3A_465 : vector<16xi32> to vector<16xi32>
    tpu.vector_store %arg14[%swap3A_466], %swap3A_469 {strides = array<i32>} : memref<784xi32, #tpu.memory_space<vmem>>, vector<16xi32>,
    %add3A_470 = arith.constant 224 : i32
    %add3A_471 = arith.addi %add3A_413, %add3A_470 : i32
    %add3A_472 = vector.broadcast %add3A_471 : i32 to vector<16xi32>
    %add3A_473 = arith.addi %mul3A_409, %add3A_472 : vector<16xi32>
    %swap3A_474 = arith.constant 112 : index
    %swap3A_475 = tpu.vector_load %arg14[%swap3A_474] {strides = array<i32>} : memref<784xi32, #tpu.memory_space<vmem>>, vector<16xi32>,
    %swap3A_476 = vector.shape_cast %swap3A_475 : vector<16xi32> to vector<16xi32>
    %swap3A_477 = vector.shape_cast %add3A_473 : vector<16xi32> to vector<16xi32>
    tpu.vector_store %arg14[%swap3A_474], %swap3A_477 {strides = array<i32>} : memref<784xi32, #tpu.memory_space<vmem>>, vector<16xi32>,
    %add3A_478 = arith.constant 256 : i32
    %add3A_479 = arith.addi %add3A_413, %add3A_478 : i32
    %add3A_480 = vector.broadcast %add3A_479 : i32 to vector<16xi32>
    %add3A_481 = arith.addi %mul3A_409, %add3A_480 : vector<16xi32>
    %swap3A_482 = arith.constant 128 : index
    %swap3A_483 = tpu.vector_load %arg14[%swap3A_482] {strides = array<i32>} : memref<784xi32, #tpu.memory_space<vmem>>, vector<16xi32>,
    %swap3A_484 = vector.shape_cast %swap3A_483 : vector<16xi32> to vector<16xi32>
    %swap3A_485 = vector.shape_cast %add3A_481 : vector<16xi32> to vector<16xi32>
    tpu.vector_store %arg14[%swap3A_482], %swap3A_485 {strides = array<i32>} : memref<784xi32, #tpu.memory_space<vmem>>, vector<16xi32>,
    %add3A_486 = arith.constant 288 : i32
    %add3A_487 = arith.addi %add3A_413, %add3A_486 : i32
    %add3A_488 = vector.broadcast %add3A_487 : i32 to vector<16xi32>
    %add3A_489 = arith.addi %mul3A_409, %add3A_488 : vector<16xi32>
    %swap3A_490 = arith.constant 144 : index
    %swap3A_491 = tpu.vector_load %arg14[%swap3A_490] {strides = array<i32>} : memref<784xi32, #tpu.memory_space<vmem>>, vector<16xi32>,
    %swap3A_492 = vector.shape_cast %swap3A_491 : vector<16xi32> to vector<16xi32>
    %swap3A_493 = vector.shape_cast %add3A_489 : vector<16xi32> to vector<16xi32>
    tpu.vector_store %arg14[%swap3A_490], %swap3A_493 {strides = array<i32>} : memref<784xi32, #tpu.memory_space<vmem>>, vector<16xi32>,
    %add3A_494 = arith.constant 320 : i32
    %add3A_495 = arith.addi %add3A_413, %add3A_494 : i32
    %add3A_496 = vector.broadcast %add3A_495 : i32 to vector<16xi32>
    %add3A_497 = arith.addi %mul3A_409, %add3A_496 : vector<16xi32>
    %swap3A_498 = arith.constant 160 : index
    %swap3A_499 = tpu.vector_load %arg14[%swap3A_498] {strides = array<i32>} : memref<784xi32, #tpu.memory_space<vmem>>, vector<16xi32>,
    %swap3A_500 = vector.shape_cast %swap3A_499 : vector<16xi32> to vector<16xi32>
    %swap3A_501 = vector.shape_cast %add3A_497 : vector<16xi32> to vector<16xi32>
    tpu.vector_store %arg14[%swap3A_498], %swap3A_501 {strides = array<i32>} : memref<784xi32, #tpu.memory_space<vmem>>, vector<16xi32>,
    %add3A_502 = arith.constant 352 : i32
    %add3A_503 = arith.addi %add3A_413, %add3A_502 : i32
    %add3A_504 = vector.broadcast %add3A_503 : i32 to vector<16xi32>
    %add3A_505 = arith.addi %mul3A_409, %add3A_504 : vector<16xi32>
    %swap3A_506 = arith.constant 176 : index
    %swap3A_507 = tpu.vector_load %arg14[%swap3A_506] {strides = array<i32>} : memref<784xi32, #tpu.memory_space<vmem>>, vector<16xi32>,
    %swap3A_508 = vector.shape_cast %swap3A_507 : vector<16xi32> to vector<16xi32>
    %swap3A_509 = vector.shape_cast %add3A_505 : vector<16xi32> to vector<16xi32>
    tpu.vector_store %arg14[%swap3A_506], %swap3A_509 {strides = array<i32>} : memref<784xi32, #tpu.memory_space<vmem>>, vector<16xi32>,
    %add3A_510 = arith.constant 384 : i32
    %add3A_511 = arith.addi %add3A_413, %add3A_510 : i32
    %add3A_512 = vector.broadcast %add3A_511 : i32 to vector<16xi32>
    %add3A_513 = arith.addi %mul3A_409, %add3A_512 : vector<16xi32>
    %swap3A_514 = arith.constant 192 : index
    %swap3A_515 = tpu.vector_load %arg14[%swap3A_514] {strides = array<i32>} : memref<784xi32, #tpu.memory_space<vmem>>, vector<16xi32>,
    %swap3A_516 = vector.shape_cast %swap3A_515 : vector<16xi32> to vector<16xi32>
    %swap3A_517 = vector.shape_cast %add3A_513 : vector<16xi32> to vector<16xi32>
    tpu.vector_store %arg14[%swap3A_514], %swap3A_517 {strides = array<i32>} : memref<784xi32, #tpu.memory_space<vmem>>, vector<16xi32>,
    %add3A_518 = arith.constant 416 : i32
    %add3A_519 = arith.addi %add3A_413, %add3A_518 : i32
    %add3A_520 = vector.broadcast %add3A_519 : i32 to vector<16xi32>
    %add3A_521 = arith.addi %mul3A_409, %add3A_520 : vector<16xi32>
    %swap3A_522 = arith.constant 208 : index
    %swap3A_523 = tpu.vector_load %arg14[%swap3A_522] {strides = array<i32>} : memref<784xi32, #tpu.memory_space<vmem>>, vector<16xi32>,
    %swap3A_524 = vector.shape_cast %swap3A_523 : vector<16xi32> to vector<16xi32>
    %swap3A_525 = vector.shape_cast %add3A_521 : vector<16xi32> to vector<16xi32>
    tpu.vector_store %arg14[%swap3A_522], %swap3A_525 {strides = array<i32>} : memref<784xi32, #tpu.memory_space<vmem>>, vector<16xi32>,
    %add3A_526 = arith.constant 448 : i32
    %add3A_527 = arith.addi %add3A_413, %add3A_526 : i32
    %add3A_528 = vector.broadcast %add3A_527 : i32 to vector<16xi32>
    %add3A_529 = arith.addi %mul3A_409, %add3A_528 : vector<16xi32>
    %swap3A_530 = arith.constant 224 : index
    %swap3A_531 = tpu.vector_load %arg14[%swap3A_530] {strides = array<i32>} : memref<784xi32, #tpu.memory_space<vmem>>, vector<16xi32>,
    %swap3A_532 = vector.shape_cast %swap3A_531 : vector<16xi32> to vector<16xi32>
    %swap3A_533 = vector.shape_cast %add3A_529 : vector<16xi32> to vector<16xi32>
    tpu.vector_store %arg14[%swap3A_530], %swap3A_533 {strides = array<i32>} : memref<784xi32, #tpu.memory_space<vmem>>, vector<16xi32>,
    %add3A_534 = arith.constant 480 : i32
    %add3A_535 = arith.addi %add3A_413, %add3A_534 : i32
    %add3A_536 = vector.broadcast %add3A_535 : i32 to vector<16xi32>
    %add3A_537 = arith.addi %mul3A_409, %add3A_536 : vector<16xi32>
    %swap3A_538 = arith.constant 240 : index
    %swap3A_539 = tpu.vector_load %arg14[%swap3A_538] {strides = array<i32>} : memref<784xi32, #tpu.memory_space<vmem>>, vector<16xi32>,
    %swap3A_540 = vector.shape_cast %swap3A_539 : vector<16xi32> to vector<16xi32>
    %swap3A_541 = vector.shape_cast %add3A_537 : vector<16xi32> to vector<16xi32>
    tpu.vector_store %arg14[%swap3A_538], %swap3A_541 {strides = array<i32>} : memref<784xi32, #tpu.memory_space<vmem>>, vector<16xi32>,
    %add3A_542 = arith.constant 512 : i32
    %add3A_543 = arith.addi %add3A_413, %add3A_542 : i32
    %add3A_544 = vector.broadcast %add3A_543 : i32 to vector<16xi32>
    %add3A_545 = arith.addi %mul3A_409, %add3A_544 : vector<16xi32>
    %swap3A_546 = arith.constant 256 : index
    %swap3A_547 = tpu.vector_load %arg14[%swap3A_546] {strides = array<i32>} : memref<784xi32, #tpu.memory_space<vmem>>, vector<16xi32>,
    %swap3A_548 = vector.shape_cast %swap3A_547 : vector<16xi32> to vector<16xi32>
    %swap3A_549 = vector.shape_cast %add3A_545 : vector<16xi32> to vector<16xi32>
    tpu.vector_store %arg14[%swap3A_546], %swap3A_549 {strides = array<i32>} : memref<784xi32, #tpu.memory_space<vmem>>, vector<16xi32>,
    %add3A_550 = arith.constant 544 : i32
    %add3A_551 = arith.addi %add3A_413, %add3A_550 : i32
    %add3A_552 = vector.broadcast %add3A_551 : i32 to vector<16xi32>
    %add3A_553 = arith.addi %mul3A_409, %add3A_552 : vector<16xi32>
    %swap3A_554 = arith.constant 272 : index
    %swap3A_555 = tpu.vector_load %arg14[%swap3A_554] {strides = array<i32>} : memref<784xi32, #tpu.memory_space<vmem>>, vector<16xi32>,
    %swap3A_556 = vector.shape_cast %swap3A_555 : vector<16xi32> to vector<16xi32>
    %swap3A_557 = vector.shape_cast %add3A_553 : vector<16xi32> to vector<16xi32>
    tpu.vector_store %arg14[%swap3A_554], %swap3A_557 {strides = array<i32>} : memref<784xi32, #tpu.memory_space<vmem>>, vector<16xi32>,
    %add3A_558 = arith.constant 576 : i32
    %add3A_559 = arith.addi %add3A_413, %add3A_558 : i32
    %add3A_560 = vector.broadcast %add3A_559 : i32 to vector<16xi32>
    %add3A_561 = arith.addi %mul3A_409, %add3A_560 : vector<16xi32>
    %swap3A_562 = arith.constant 288 : index
    %swap3A_563 = tpu.vector_load %arg14[%swap3A_562] {strides = array<i32>} : memref<784xi32, #tpu.memory_space<vmem>>, vector<16xi32>,
    %swap3A_564 = vector.shape_cast %swap3A_563 : vector<16xi32> to vector<16xi32>
    %swap3A_565 = vector.shape_cast %add3A_561 : vector<16xi32> to vector<16xi32>
    tpu.vector_store %arg14[%swap3A_562], %swap3A_565 {strides = array<i32>} : memref<784xi32, #tpu.memory_space<vmem>>, vector<16xi32>,
    %add3A_566 = arith.constant 608 : i32
    %add3A_567 = arith.addi %add3A_413, %add3A_566 : i32
    %add3A_568 = vector.broadcast %add3A_567 : i32 to vector<16xi32>
    %add3A_569 = arith.addi %mul3A_409, %add3A_568 : vector<16xi32>
    %swap3A_570 = arith.constant 304 : index
    %swap3A_571 = tpu.vector_load %arg14[%swap3A_570] {strides = array<i32>} : memref<784xi32, #tpu.memory_space<vmem>>, vector<16xi32>,
    %swap3A_572 = vector.shape_cast %swap3A_571 : vector<16xi32> to vector<16xi32>
    %swap3A_573 = vector.shape_cast %add3A_569 : vector<16xi32> to vector<16xi32>
    tpu.vector_store %arg14[%swap3A_570], %swap3A_573 {strides = array<i32>} : memref<784xi32, #tpu.memory_space<vmem>>, vector<16xi32>,
    %add3A_574 = arith.constant 640 : i32
    %add3A_575 = arith.addi %add3A_413, %add3A_574 : i32
    %add3A_576 = vector.broadcast %add3A_575 : i32 to vector<16xi32>
    %add3A_577 = arith.addi %mul3A_409, %add3A_576 : vector<16xi32>
    %swap3A_578 = arith.constant 320 : index
    %swap3A_579 = tpu.vector_load %arg14[%swap3A_578] {strides = array<i32>} : memref<784xi32, #tpu.memory_space<vmem>>, vector<16xi32>,
    %swap3A_580 = vector.shape_cast %swap3A_579 : vector<16xi32> to vector<16xi32>
    %swap3A_581 = vector.shape_cast %add3A_577 : vector<16xi32> to vector<16xi32>
    tpu.vector_store %arg14[%swap3A_578], %swap3A_581 {strides = array<i32>} : memref<784xi32, #tpu.memory_space<vmem>>, vector<16xi32>,
    %add3A_582 = arith.constant 672 : i32
    %add3A_583 = arith.addi %add3A_413, %add3A_582 : i32
    %add3A_584 = vector.broadcast %add3A_583 : i32 to vector<16xi32>
    %add3A_585 = arith.addi %mul3A_409, %add3A_584 : vector<16xi32>
    %swap3A_586 = arith.constant 336 : index
    %swap3A_587 = tpu.vector_load %arg14[%swap3A_586] {strides = array<i32>} : memref<784xi32, #tpu.memory_space<vmem>>, vector<16xi32>,
    %swap3A_588 = vector.shape_cast %swap3A_587 : vector<16xi32> to vector<16xi32>
    %swap3A_589 = vector.shape_cast %add3A_585 : vector<16xi32> to vector<16xi32>
    tpu.vector_store %arg14[%swap3A_586], %swap3A_589 {strides = array<i32>} : memref<784xi32, #tpu.memory_space<vmem>>, vector<16xi32>,
    %add3A_590 = arith.constant 704 : i32
    %add3A_591 = arith.addi %add3A_413, %add3A_590 : i32
    %add3A_592 = vector.broadcast %add3A_591 : i32 to vector<16xi32>
    %add3A_593 = arith.addi %mul3A_409, %add3A_592 : vector<16xi32>
    %swap3A_594 = arith.constant 352 : index
    %swap3A_595 = tpu.vector_load %arg14[%swap3A_594] {strides = array<i32>} : memref<784xi32, #tpu.memory_space<vmem>>, vector<16xi32>,
    %swap3A_596 = vector.shape_cast %swap3A_595 : vector<16xi32> to vector<16xi32>
    %swap3A_597 = vector.shape_cast %add3A_593 : vector<16xi32> to vector<16xi32>
    tpu.vector_store %arg14[%swap3A_594], %swap3A_597 {strides = array<i32>} : memref<784xi32, #tpu.memory_space<vmem>>, vector<16xi32>,
    %add3A_598 = arith.constant 736 : i32
    %add3A_599 = arith.addi %add3A_413, %add3A_598 : i32
    %add3A_600 = vector.broadcast %add3A_599 : i32 to vector<16xi32>
    %add3A_601 = arith.addi %mul3A_409, %add3A_600 : vector<16xi32>
    %swap3A_602 = arith.constant 368 : index
    %swap3A_603 = tpu.vector_load %arg14[%swap3A_602] {strides = array<i32>} : memref<784xi32, #tpu.memory_space<vmem>>, vector<16xi32>,
    %swap3A_604 = vector.shape_cast %swap3A_603 : vector<16xi32> to vector<16xi32>
    %swap3A_605 = vector.shape_cast %add3A_601 : vector<16xi32> to vector<16xi32>
    tpu.vector_store %arg14[%swap3A_602], %swap3A_605 {strides = array<i32>} : memref<784xi32, #tpu.memory_space<vmem>>, vector<16xi32>,
    %add3A_606 = arith.constant 768 : i32
    %add3A_607 = arith.addi %add3A_413, %add3A_606 : i32
    %add3A_608 = vector.broadcast %add3A_607 : i32 to vector<16xi32>
    %add3A_609 = arith.addi %mul3A_409, %add3A_608 : vector<16xi32>
    %swap3A_610 = arith.constant 384 : index
    %swap3A_611 = tpu.vector_load %arg14[%swap3A_610] {strides = array<i32>} : memref<784xi32, #tpu.memory_space<vmem>>, vector<16xi32>,
    %swap3A_612 = vector.shape_cast %swap3A_611 : vector<16xi32> to vector<16xi32>
    %swap3A_613 = vector.shape_cast %add3A_609 : vector<16xi32> to vector<16xi32>
    tpu.vector_store %arg14[%swap3A_610], %swap3A_613 {strides = array<i32>} : memref<784xi32, #tpu.memory_space<vmem>>, vector<16xi32>,
    %add3A_614 = arith.constant 800 : i32
    %add3A_615 = arith.addi %add3A_413, %add3A_614 : i32
    %add3A_616 = vector.broadcast %add3A_615 : i32 to vector<16xi32>
    %add3A_617 = arith.addi %mul3A_409, %add3A_616 : vector<16xi32>
    %swap3A_618 = arith.constant 400 : index
    %swap3A_619 = tpu.vector_load %arg14[%swap3A_618] {strides = array<i32>} : memref<784xi32, #tpu.memory_space<vmem>>, vector<16xi32>,
    %swap3A_620 = vector.shape_cast %swap3A_619 : vector<16xi32> to vector<16xi32>
    %swap3A_621 = vector.shape_cast %add3A_617 : vector<16xi32> to vector<16xi32>
    tpu.vector_store %arg14[%swap3A_618], %swap3A_621 {strides = array<i32>} : memref<784xi32, #tpu.memory_space<vmem>>, vector<16xi32>,
    %add3A_622 = arith.constant 832 : i32
    %add3A_623 = arith.addi %add3A_413, %add3A_622 : i32
    %add3A_624 = vector.broadcast %add3A_623 : i32 to vector<16xi32>
    %add3A_625 = arith.addi %mul3A_409, %add3A_624 : vector<16xi32>
    %swap3A_626 = arith.constant 416 : index
    %swap3A_627 = tpu.vector_load %arg14[%swap3A_626] {strides = array<i32>} : memref<784xi32, #tpu.memory_space<vmem>>, vector<16xi32>,
    %swap3A_628 = vector.shape_cast %swap3A_627 : vector<16xi32> to vector<16xi32>
    %swap3A_629 = vector.shape_cast %add3A_625 : vector<16xi32> to vector<16xi32>
    tpu.vector_store %arg14[%swap3A_626], %swap3A_629 {strides = array<i32>} : memref<784xi32, #tpu.memory_space<vmem>>, vector<16xi32>,
    %add3A_630 = arith.constant 864 : i32
    %add3A_631 = arith.addi %add3A_413, %add3A_630 : i32
    %add3A_632 = vector.broadcast %add3A_631 : i32 to vector<16xi32>
    %add3A_633 = arith.addi %mul3A_409, %add3A_632 : vector<16xi32>
    %swap3A_634 = arith.constant 432 : index
    %swap3A_635 = tpu.vector_load %arg14[%swap3A_634] {strides = array<i32>} : memref<784xi32, #tpu.memory_space<vmem>>, vector<16xi32>,
    %swap3A_636 = vector.shape_cast %swap3A_635 : vector<16xi32> to vector<16xi32>
    %swap3A_637 = vector.shape_cast %add3A_633 : vector<16xi32> to vector<16xi32>
    tpu.vector_store %arg14[%swap3A_634], %swap3A_637 {strides = array<i32>} : memref<784xi32, #tpu.memory_space<vmem>>, vector<16xi32>,
    %add3A_638 = arith.constant 896 : i32
    %add3A_639 = arith.addi %add3A_413, %add3A_638 : i32
    %add3A_640 = vector.broadcast %add3A_639 : i32 to vector<16xi32>
    %add3A_641 = arith.addi %mul3A_409, %add3A_640 : vector<16xi32>
    %swap3A_642 = arith.constant 448 : index
    %swap3A_643 = tpu.vector_load %arg14[%swap3A_642] {strides = array<i32>} : memref<784xi32, #tpu.memory_space<vmem>>, vector<16xi32>,
    %swap3A_644 = vector.shape_cast %swap3A_643 : vector<16xi32> to vector<16xi32>
    %swap3A_645 = vector.shape_cast %add3A_641 : vector<16xi32> to vector<16xi32>
    tpu.vector_store %arg14[%swap3A_642], %swap3A_645 {strides = array<i32>} : memref<784xi32, #tpu.memory_space<vmem>>, vector<16xi32>,
    %add3A_646 = arith.constant 928 : i32
    %add3A_647 = arith.addi %add3A_413, %add3A_646 : i32
    %add3A_648 = vector.broadcast %add3A_647 : i32 to vector<16xi32>
    %add3A_649 = arith.addi %mul3A_409, %add3A_648 : vector<16xi32>
    %swap3A_650 = arith.constant 464 : index
    %swap3A_651 = tpu.vector_load %arg14[%swap3A_650] {strides = array<i32>} : memref<784xi32, #tpu.memory_space<vmem>>, vector<16xi32>,
    %swap3A_652 = vector.shape_cast %swap3A_651 : vector<16xi32> to vector<16xi32>
    %swap3A_653 = vector.shape_cast %add3A_649 : vector<16xi32> to vector<16xi32>
    tpu.vector_store %arg14[%swap3A_650], %swap3A_653 {strides = array<i32>} : memref<784xi32, #tpu.memory_space<vmem>>, vector<16xi32>,
    %add3A_654 = arith.constant 960 : i32
    %add3A_655 = arith.addi %add3A_413, %add3A_654 : i32
    %add3A_656 = vector.broadcast %add3A_655 : i32 to vector<16xi32>
    %add3A_657 = arith.addi %mul3A_409, %add3A_656 : vector<16xi32>
    %swap3A_658 = arith.constant 480 : index
    %swap3A_659 = tpu.vector_load %arg14[%swap3A_658] {strides = array<i32>} : memref<784xi32, #tpu.memory_space<vmem>>, vector<16xi32>,
    %swap3A_660 = vector.shape_cast %swap3A_659 : vector<16xi32> to vector<16xi32>
    %swap3A_661 = vector.shape_cast %add3A_657 : vector<16xi32> to vector<16xi32>
    tpu.vector_store %arg14[%swap3A_658], %swap3A_661 {strides = array<i32>} : memref<784xi32, #tpu.memory_space<vmem>>, vector<16xi32>,
    %add3A_662 = arith.constant 992 : i32
    %add3A_663 = arith.addi %add3A_413, %add3A_662 : i32
    %add3A_664 = vector.broadcast %add3A_663 : i32 to vector<16xi32>
    %add3A_665 = arith.addi %mul3A_409, %add3A_664 : vector<16xi32>
    %swap3A_666 = arith.constant 496 : index
    %swap3A_667 = tpu.vector_load %arg14[%swap3A_666] {strides = array<i32>} : memref<784xi32, #tpu.memory_space<vmem>>, vector<16xi32>,
    %swap3A_668 = vector.shape_cast %swap3A_667 : vector<16xi32> to vector<16xi32>
    %swap3A_669 = vector.shape_cast %add3A_665 : vector<16xi32> to vector<16xi32>
    tpu.vector_store %arg14[%swap3A_666], %swap3A_669 {strides = array<i32>} : memref<784xi32, #tpu.memory_space<vmem>>, vector<16xi32>,
    %add3A_670 = arith.constant 1024 : i32
    %add3A_671 = arith.addi %add3A_413, %add3A_670 : i32
    %add3A_672 = vector.broadcast %add3A_671 : i32 to vector<16xi32>
    %add3A_673 = arith.addi %mul3A_409, %add3A_672 : vector<16xi32>
    %swap3A_674 = arith.constant 512 : index
    %swap3A_675 = tpu.vector_load %arg14[%swap3A_674] {strides = array<i32>} : memref<784xi32, #tpu.memory_space<vmem>>, vector<16xi32>,
    %swap3A_676 = vector.shape_cast %swap3A_675 : vector<16xi32> to vector<16xi32>
    %swap3A_677 = vector.shape_cast %add3A_673 : vector<16xi32> to vector<16xi32>
    tpu.vector_store %arg14[%swap3A_674], %swap3A_677 {strides = array<i32>} : memref<784xi32, #tpu.memory_space<vmem>>, vector<16xi32>,
    %add3A_678 = arith.constant 1056 : i32
    %add3A_679 = arith.addi %add3A_413, %add3A_678 : i32
    %add3A_680 = vector.broadcast %add3A_679 : i32 to vector<16xi32>
    %add3A_681 = arith.addi %mul3A_409, %add3A_680 : vector<16xi32>
    %swap3A_682 = arith.constant 528 : index
    %swap3A_683 = tpu.vector_load %arg14[%swap3A_682] {strides = array<i32>} : memref<784xi32, #tpu.memory_space<vmem>>, vector<16xi32>,
    %swap3A_684 = vector.shape_cast %swap3A_683 : vector<16xi32> to vector<16xi32>
    %swap3A_685 = vector.shape_cast %add3A_681 : vector<16xi32> to vector<16xi32>
    tpu.vector_store %arg14[%swap3A_682], %swap3A_685 {strides = array<i32>} : memref<784xi32, #tpu.memory_space<vmem>>, vector<16xi32>,
    %add3A_686 = arith.constant 1088 : i32
    %add3A_687 = arith.addi %add3A_413, %add3A_686 : i32
    %add3A_688 = vector.broadcast %add3A_687 : i32 to vector<16xi32>
    %add3A_689 = arith.addi %mul3A_409, %add3A_688 : vector<16xi32>
    %swap3A_690 = arith.constant 544 : index
    %swap3A_691 = tpu.vector_load %arg14[%swap3A_690] {strides = array<i32>} : memref<784xi32, #tpu.memory_space<vmem>>, vector<16xi32>,
    %swap3A_692 = vector.shape_cast %swap3A_691 : vector<16xi32> to vector<16xi32>
    %swap3A_693 = vector.shape_cast %add3A_689 : vector<16xi32> to vector<16xi32>
    tpu.vector_store %arg14[%swap3A_690], %swap3A_693 {strides = array<i32>} : memref<784xi32, #tpu.memory_space<vmem>>, vector<16xi32>,
    %add3A_694 = arith.constant 1120 : i32
    %add3A_695 = arith.addi %add3A_413, %add3A_694 : i32
    %add3A_696 = vector.broadcast %add3A_695 : i32 to vector<16xi32>
    %add3A_697 = arith.addi %mul3A_409, %add3A_696 : vector<16xi32>
    %swap3A_698 = arith.constant 560 : index
    %swap3A_699 = tpu.vector_load %arg14[%swap3A_698] {strides = array<i32>} : memref<784xi32, #tpu.memory_space<vmem>>, vector<16xi32>,
    %swap3A_700 = vector.shape_cast %swap3A_699 : vector<16xi32> to vector<16xi32>
    %swap3A_701 = vector.shape_cast %add3A_697 : vector<16xi32> to vector<16xi32>
    tpu.vector_store %arg14[%swap3A_698], %swap3A_701 {strides = array<i32>} : memref<784xi32, #tpu.memory_space<vmem>>, vector<16xi32>,
    %add3A_702 = arith.constant 1152 : i32
    %add3A_703 = arith.addi %add3A_413, %add3A_702 : i32
    %add3A_704 = vector.broadcast %add3A_703 : i32 to vector<16xi32>
    %add3A_705 = arith.addi %mul3A_409, %add3A_704 : vector<16xi32>
    %swap3A_706 = arith.constant 576 : index
    %swap3A_707 = tpu.vector_load %arg14[%swap3A_706] {strides = array<i32>} : memref<784xi32, #tpu.memory_space<vmem>>, vector<16xi32>,
    %swap3A_708 = vector.shape_cast %swap3A_707 : vector<16xi32> to vector<16xi32>
    %swap3A_709 = vector.shape_cast %add3A_705 : vector<16xi32> to vector<16xi32>
    tpu.vector_store %arg14[%swap3A_706], %swap3A_709 {strides = array<i32>} : memref<784xi32, #tpu.memory_space<vmem>>, vector<16xi32>,
    %add3A_710 = arith.constant 1184 : i32
    %add3A_711 = arith.addi %add3A_413, %add3A_710 : i32
    %add3A_712 = vector.broadcast %add3A_711 : i32 to vector<16xi32>
    %add3A_713 = arith.addi %mul3A_409, %add3A_712 : vector<16xi32>
    %swap3A_714 = arith.constant 592 : index
    %swap3A_715 = tpu.vector_load %arg14[%swap3A_714] {strides = array<i32>} : memref<784xi32, #tpu.memory_space<vmem>>, vector<16xi32>,
    %swap3A_716 = vector.shape_cast %swap3A_715 : vector<16xi32> to vector<16xi32>
    %swap3A_717 = vector.shape_cast %add3A_713 : vector<16xi32> to vector<16xi32>
    tpu.vector_store %arg14[%swap3A_714], %swap3A_717 {strides = array<i32>} : memref<784xi32, #tpu.memory_space<vmem>>, vector<16xi32>,
    %add3A_718 = arith.constant 1216 : i32
    %add3A_719 = arith.addi %add3A_413, %add3A_718 : i32
    %add3A_720 = vector.broadcast %add3A_719 : i32 to vector<16xi32>
    %add3A_721 = arith.addi %mul3A_409, %add3A_720 : vector<16xi32>
    %swap3A_722 = arith.constant 608 : index
    %swap3A_723 = tpu.vector_load %arg14[%swap3A_722] {strides = array<i32>} : memref<784xi32, #tpu.memory_space<vmem>>, vector<16xi32>,
    %swap3A_724 = vector.shape_cast %swap3A_723 : vector<16xi32> to vector<16xi32>
    %swap3A_725 = vector.shape_cast %add3A_721 : vector<16xi32> to vector<16xi32>
    tpu.vector_store %arg14[%swap3A_722], %swap3A_725 {strides = array<i32>} : memref<784xi32, #tpu.memory_space<vmem>>, vector<16xi32>,
    %add3A_726 = arith.constant 1248 : i32
    %add3A_727 = arith.addi %add3A_413, %add3A_726 : i32
    %add3A_728 = vector.broadcast %add3A_727 : i32 to vector<16xi32>
    %add3A_729 = arith.addi %mul3A_409, %add3A_728 : vector<16xi32>
    %swap3A_730 = arith.constant 624 : index
    %swap3A_731 = tpu.vector_load %arg14[%swap3A_730] {strides = array<i32>} : memref<784xi32, #tpu.memory_space<vmem>>, vector<16xi32>,
    %swap3A_732 = vector.shape_cast %swap3A_731 : vector<16xi32> to vector<16xi32>
    %swap3A_733 = vector.shape_cast %add3A_729 : vector<16xi32> to vector<16xi32>
    tpu.vector_store %arg14[%swap3A_730], %swap3A_733 {strides = array<i32>} : memref<784xi32, #tpu.memory_space<vmem>>, vector<16xi32>,
    %add3A_734 = arith.constant 1280 : i32
    %add3A_735 = arith.addi %add3A_413, %add3A_734 : i32
    %add3A_736 = vector.broadcast %add3A_735 : i32 to vector<16xi32>
    %add3A_737 = arith.addi %mul3A_409, %add3A_736 : vector<16xi32>
    %swap3A_738 = arith.constant 640 : index
    %swap3A_739 = tpu.vector_load %arg14[%swap3A_738] {strides = array<i32>} : memref<784xi32, #tpu.memory_space<vmem>>, vector<16xi32>,
    %swap3A_740 = vector.shape_cast %swap3A_739 : vector<16xi32> to vector<16xi32>
    %swap3A_741 = vector.shape_cast %add3A_737 : vector<16xi32> to vector<16xi32>
    tpu.vector_store %arg14[%swap3A_738], %swap3A_741 {strides = array<i32>} : memref<784xi32, #tpu.memory_space<vmem>>, vector<16xi32>,
    %add3A_742 = arith.constant 1312 : i32
    %add3A_743 = arith.addi %add3A_413, %add3A_742 : i32
    %add3A_744 = vector.broadcast %add3A_743 : i32 to vector<16xi32>
    %add3A_745 = arith.addi %mul3A_409, %add3A_744 : vector<16xi32>
    %swap3A_746 = arith.constant 656 : index
    %swap3A_747 = tpu.vector_load %arg14[%swap3A_746] {strides = array<i32>} : memref<784xi32, #tpu.memory_space<vmem>>, vector<16xi32>,
    %swap3A_748 = vector.shape_cast %swap3A_747 : vector<16xi32> to vector<16xi32>
    %swap3A_749 = vector.shape_cast %add3A_745 : vector<16xi32> to vector<16xi32>
    tpu.vector_store %arg14[%swap3A_746], %swap3A_749 {strides = array<i32>} : memref<784xi32, #tpu.memory_space<vmem>>, vector<16xi32>,
    %add3A_750 = arith.constant 1344 : i32
    %add3A_751 = arith.addi %add3A_413, %add3A_750 : i32
    %add3A_752 = vector.broadcast %add3A_751 : i32 to vector<16xi32>
    %add3A_753 = arith.addi %mul3A_409, %add3A_752 : vector<16xi32>
    %swap3A_754 = arith.constant 672 : index
    %swap3A_755 = tpu.vector_load %arg14[%swap3A_754] {strides = array<i32>} : memref<784xi32, #tpu.memory_space<vmem>>, vector<16xi32>,
    %swap3A_756 = vector.shape_cast %swap3A_755 : vector<16xi32> to vector<16xi32>
    %swap3A_757 = vector.shape_cast %add3A_753 : vector<16xi32> to vector<16xi32>
    tpu.vector_store %arg14[%swap3A_754], %swap3A_757 {strides = array<i32>} : memref<784xi32, #tpu.memory_space<vmem>>, vector<16xi32>,
    %add3A_758 = arith.constant 1376 : i32
    %add3A_759 = arith.addi %add3A_413, %add3A_758 : i32
    %add3A_760 = vector.broadcast %add3A_759 : i32 to vector<16xi32>
    %add3A_761 = arith.addi %mul3A_409, %add3A_760 : vector<16xi32>
    %swap3A_762 = arith.constant 688 : index
    %swap3A_763 = tpu.vector_load %arg14[%swap3A_762] {strides = array<i32>} : memref<784xi32, #tpu.memory_space<vmem>>, vector<16xi32>,
    %swap3A_764 = vector.shape_cast %swap3A_763 : vector<16xi32> to vector<16xi32>
    %swap3A_765 = vector.shape_cast %add3A_761 : vector<16xi32> to vector<16xi32>
    tpu.vector_store %arg14[%swap3A_762], %swap3A_765 {strides = array<i32>} : memref<784xi32, #tpu.memory_space<vmem>>, vector<16xi32>,
    %add3A_766 = arith.constant 1408 : i32
    %add3A_767 = arith.addi %add3A_413, %add3A_766 : i32
    %add3A_768 = vector.broadcast %add3A_767 : i32 to vector<16xi32>
    %add3A_769 = arith.addi %mul3A_409, %add3A_768 : vector<16xi32>
    %swap3A_770 = arith.constant 704 : index
    %swap3A_771 = tpu.vector_load %arg14[%swap3A_770] {strides = array<i32>} : memref<784xi32, #tpu.memory_space<vmem>>, vector<16xi32>,
    %swap3A_772 = vector.shape_cast %swap3A_771 : vector<16xi32> to vector<16xi32>
    %swap3A_773 = vector.shape_cast %add3A_769 : vector<16xi32> to vector<16xi32>
    tpu.vector_store %arg14[%swap3A_770], %swap3A_773 {strides = array<i32>} : memref<784xi32, #tpu.memory_space<vmem>>, vector<16xi32>,
    %add3A_774 = arith.constant 1440 : i32
    %add3A_775 = arith.addi %add3A_413, %add3A_774 : i32
    %add3A_776 = vector.broadcast %add3A_775 : i32 to vector<16xi32>
    %add3A_777 = arith.addi %mul3A_409, %add3A_776 : vector<16xi32>
    %swap3A_778 = arith.constant 720 : index
    %swap3A_779 = tpu.vector_load %arg14[%swap3A_778] {strides = array<i32>} : memref<784xi32, #tpu.memory_space<vmem>>, vector<16xi32>,
    %swap3A_780 = vector.shape_cast %swap3A_779 : vector<16xi32> to vector<16xi32>
    %swap3A_781 = vector.shape_cast %add3A_777 : vector<16xi32> to vector<16xi32>
    tpu.vector_store %arg14[%swap3A_778], %swap3A_781 {strides = array<i32>} : memref<784xi32, #tpu.memory_space<vmem>>, vector<16xi32>,
    %add3A_782 = arith.constant 1472 : i32
    %add3A_783 = arith.addi %add3A_413, %add3A_782 : i32
    %add3A_784 = vector.broadcast %add3A_783 : i32 to vector<16xi32>
    %add3A_785 = arith.addi %mul3A_409, %add3A_784 : vector<16xi32>
    %swap3A_786 = arith.constant 736 : index
    %swap3A_787 = tpu.vector_load %arg14[%swap3A_786] {strides = array<i32>} : memref<784xi32, #tpu.memory_space<vmem>>, vector<16xi32>,
    %swap3A_788 = vector.shape_cast %swap3A_787 : vector<16xi32> to vector<16xi32>
    %swap3A_789 = vector.shape_cast %add3A_785 : vector<16xi32> to vector<16xi32>
    tpu.vector_store %arg14[%swap3A_786], %swap3A_789 {strides = array<i32>} : memref<784xi32, #tpu.memory_space<vmem>>, vector<16xi32>,
    %add3A_790 = arith.constant 1504 : i32
    %add3A_791 = arith.addi %add3A_413, %add3A_790 : i32
    %add3A_792 = vector.broadcast %add3A_791 : i32 to vector<16xi32>
    %add3A_793 = arith.addi %mul3A_409, %add3A_792 : vector<16xi32>
    %swap3A_794 = arith.constant 752 : index
    %swap3A_795 = tpu.vector_load %arg14[%swap3A_794] {strides = array<i32>} : memref<784xi32, #tpu.memory_space<vmem>>, vector<16xi32>,
    %swap3A_796 = vector.shape_cast %swap3A_795 : vector<16xi32> to vector<16xi32>
    %swap3A_797 = vector.shape_cast %add3A_793 : vector<16xi32> to vector<16xi32>
    tpu.vector_store %arg14[%swap3A_794], %swap3A_797 {strides = array<i32>} : memref<784xi32, #tpu.memory_space<vmem>>, vector<16xi32>,
    %add3A_798 = arith.constant 1536 : i32
    %add3A_799 = arith.addi %add3A_413, %add3A_798 : i32
    %add3A_800 = vector.broadcast %add3A_799 : i32 to vector<16xi32>
    %add3A_801 = arith.addi %mul3A_409, %add3A_800 : vector<16xi32>
    %swap3A_802 = arith.constant 768 : index
    %swap3A_803 = tpu.vector_load %arg14[%swap3A_802] {strides = array<i32>} : memref<784xi32, #tpu.memory_space<vmem>>, vector<16xi32>,
    %swap3A_804 = vector.shape_cast %swap3A_803 : vector<16xi32> to vector<16xi32>
    %swap3A_805 = vector.shape_cast %add3A_801 : vector<16xi32> to vector<16xi32>
    tpu.vector_store %arg14[%swap3A_802], %swap3A_805 {strides = array<i32>} : memref<784xi32, #tpu.memory_space<vmem>>, vector<16xi32>,
    %iota3A_806 = tpu.iota {dimensions = array<i32: 0>} : vector<16xi32>
    %mul3A_807 = arith.constant 2 : i32
    %mul3A_808 = vector.broadcast %mul3A_807 : i32 to vector<16xi32>
    %mul3A_809 = arith.muli %iota3A_806, %mul3A_808 : vector<16xi32>
    %mul3A_810 = arith.constant 2 : i32
    %mul3A_811 = arith.muli %min3A_7, %mul3A_810 : i32
    %add3A_812 = arith.constant 0 : i32
    %add3A_813 = arith.addi %mul3A_811, %add3A_812 : i32
    %add3A_814 = arith.constant 0 : i32
    %add3A_815 = arith.addi %add3A_813, %add3A_814 : i32
    %add3A_816 = vector.broadcast %add3A_815 : i32 to vector<16xi32>
    %add3A_817 = arith.addi %mul3A_809, %add3A_816 : vector<16xi32>
    %swap3A_818 = arith.constant 0 : index
    %swap3A_819 = tpu.vector_load %arg19[%swap3A_818] {strides = array<i32>} : memref<320xi32, #tpu.memory_space<vmem>>, vector<16xi32>,
    %swap3A_820 = vector.shape_cast %swap3A_819 : vector<16xi32> to vector<16xi32>
    %swap3A_821 = vector.shape_cast %add3A_817 : vector<16xi32> to vector<16xi32>
    tpu.vector_store %arg19[%swap3A_818], %swap3A_821 {strides = array<i32>} : memref<320xi32, #tpu.memory_space<vmem>>, vector<16xi32>,
    %add3A_822 = arith.constant 32 : i32
    %add3A_823 = arith.addi %add3A_813, %add3A_822 : i32
    %add3A_824 = vector.broadcast %add3A_823 : i32 to vector<16xi32>
    %add3A_825 = arith.addi %mul3A_809, %add3A_824 : vector<16xi32>
    %swap3A_826 = arith.constant 16 : index
    %swap3A_827 = tpu.vector_load %arg19[%swap3A_826] {strides = array<i32>} : memref<320xi32, #tpu.memory_space<vmem>>, vector<16xi32>,
    %swap3A_828 = vector.shape_cast %swap3A_827 : vector<16xi32> to vector<16xi32>
    %swap3A_829 = vector.shape_cast %add3A_825 : vector<16xi32> to vector<16xi32>
    tpu.vector_store %arg19[%swap3A_826], %swap3A_829 {strides = array<i32>} : memref<320xi32, #tpu.memory_space<vmem>>, vector<16xi32>,
    %add3A_830 = arith.constant 64 : i32
    %add3A_831 = arith.addi %add3A_813, %add3A_830 : i32
    %add3A_832 = vector.broadcast %add3A_831 : i32 to vector<16xi32>
    %add3A_833 = arith.addi %mul3A_809, %add3A_832 : vector<16xi32>
    %swap3A_834 = arith.constant 32 : index
    %swap3A_835 = tpu.vector_load %arg19[%swap3A_834] {strides = array<i32>} : memref<320xi32, #tpu.memory_space<vmem>>, vector<16xi32>,
    %swap3A_836 = vector.shape_cast %swap3A_835 : vector<16xi32> to vector<16xi32>
    %swap3A_837 = vector.shape_cast %add3A_833 : vector<16xi32> to vector<16xi32>
    tpu.vector_store %arg19[%swap3A_834], %swap3A_837 {strides = array<i32>} : memref<320xi32, #tpu.memory_space<vmem>>, vector<16xi32>,
    %add3A_838 = arith.constant 96 : i32
    %add3A_839 = arith.addi %add3A_813, %add3A_838 : i32
    %add3A_840 = vector.broadcast %add3A_839 : i32 to vector<16xi32>
    %add3A_841 = arith.addi %mul3A_809, %add3A_840 : vector<16xi32>
    %swap3A_842 = arith.constant 48 : index
    %swap3A_843 = tpu.vector_load %arg19[%swap3A_842] {strides = array<i32>} : memref<320xi32, #tpu.memory_space<vmem>>, vector<16xi32>,
    %swap3A_844 = vector.shape_cast %swap3A_843 : vector<16xi32> to vector<16xi32>
    %swap3A_845 = vector.shape_cast %add3A_841 : vector<16xi32> to vector<16xi32>
    tpu.vector_store %arg19[%swap3A_842], %swap3A_845 {strides = array<i32>} : memref<320xi32, #tpu.memory_space<vmem>>, vector<16xi32>,
    %add3A_846 = arith.constant 128 : i32
    %add3A_847 = arith.addi %add3A_813, %add3A_846 : i32
    %add3A_848 = vector.broadcast %add3A_847 : i32 to vector<16xi32>
    %add3A_849 = arith.addi %mul3A_809, %add3A_848 : vector<16xi32>
    %swap3A_850 = arith.constant 64 : index
    %swap3A_851 = tpu.vector_load %arg19[%swap3A_850] {strides = array<i32>} : memref<320xi32, #tpu.memory_space<vmem>>, vector<16xi32>,
    %swap3A_852 = vector.shape_cast %swap3A_851 : vector<16xi32> to vector<16xi32>
    %swap3A_853 = vector.shape_cast %add3A_849 : vector<16xi32> to vector<16xi32>
    tpu.vector_store %arg19[%swap3A_850], %swap3A_853 {strides = array<i32>} : memref<320xi32, #tpu.memory_space<vmem>>, vector<16xi32>,
    %add3A_854 = arith.constant 160 : i32
    %add3A_855 = arith.addi %add3A_813, %add3A_854 : i32
    %add3A_856 = vector.broadcast %add3A_855 : i32 to vector<16xi32>
    %add3A_857 = arith.addi %mul3A_809, %add3A_856 : vector<16xi32>
    %swap3A_858 = arith.constant 80 : index
    %swap3A_859 = tpu.vector_load %arg19[%swap3A_858] {strides = array<i32>} : memref<320xi32, #tpu.memory_space<vmem>>, vector<16xi32>,
    %swap3A_860 = vector.shape_cast %swap3A_859 : vector<16xi32> to vector<16xi32>
    %swap3A_861 = vector.shape_cast %add3A_857 : vector<16xi32> to vector<16xi32>
    tpu.vector_store %arg19[%swap3A_858], %swap3A_861 {strides = array<i32>} : memref<320xi32, #tpu.memory_space<vmem>>, vector<16xi32>,
    %add3A_862 = arith.constant 192 : i32
    %add3A_863 = arith.addi %add3A_813, %add3A_862 : i32
    %add3A_864 = vector.broadcast %add3A_863 : i32 to vector<16xi32>
    %add3A_865 = arith.addi %mul3A_809, %add3A_864 : vector<16xi32>
    %swap3A_866 = arith.constant 96 : index
    %swap3A_867 = tpu.vector_load %arg19[%swap3A_866] {strides = array<i32>} : memref<320xi32, #tpu.memory_space<vmem>>, vector<16xi32>,
    %swap3A_868 = vector.shape_cast %swap3A_867 : vector<16xi32> to vector<16xi32>
    %swap3A_869 = vector.shape_cast %add3A_865 : vector<16xi32> to vector<16xi32>
    tpu.vector_store %arg19[%swap3A_866], %swap3A_869 {strides = array<i32>} : memref<320xi32, #tpu.memory_space<vmem>>, vector<16xi32>,
    %add3A_870 = arith.constant 224 : i32
    %add3A_871 = arith.addi %add3A_813, %add3A_870 : i32
    %add3A_872 = vector.broadcast %add3A_871 : i32 to vector<16xi32>
    %add3A_873 = arith.addi %mul3A_809, %add3A_872 : vector<16xi32>
    %swap3A_874 = arith.constant 112 : index
    %swap3A_875 = tpu.vector_load %arg19[%swap3A_874] {strides = array<i32>} : memref<320xi32, #tpu.memory_space<vmem>>, vector<16xi32>,
    %swap3A_876 = vector.shape_cast %swap3A_875 : vector<16xi32> to vector<16xi32>
    %swap3A_877 = vector.shape_cast %add3A_873 : vector<16xi32> to vector<16xi32>
    tpu.vector_store %arg19[%swap3A_874], %swap3A_877 {strides = array<i32>} : memref<320xi32, #tpu.memory_space<vmem>>, vector<16xi32>,
    %add3A_878 = arith.constant 256 : i32
    %add3A_879 = arith.addi %add3A_813, %add3A_878 : i32
    %add3A_880 = vector.broadcast %add3A_879 : i32 to vector<16xi32>
    %add3A_881 = arith.addi %mul3A_809, %add3A_880 : vector<16xi32>
    %swap3A_882 = arith.constant 128 : index
    %swap3A_883 = tpu.vector_load %arg19[%swap3A_882] {strides = array<i32>} : memref<320xi32, #tpu.memory_space<vmem>>, vector<16xi32>,
    %swap3A_884 = vector.shape_cast %swap3A_883 : vector<16xi32> to vector<16xi32>
    %swap3A_885 = vector.shape_cast %add3A_881 : vector<16xi32> to vector<16xi32>
    tpu.vector_store %arg19[%swap3A_882], %swap3A_885 {strides = array<i32>} : memref<320xi32, #tpu.memory_space<vmem>>, vector<16xi32>,
    %add3A_886 = arith.constant 288 : i32
    %add3A_887 = arith.addi %add3A_813, %add3A_886 : i32
    %add3A_888 = vector.broadcast %add3A_887 : i32 to vector<16xi32>
    %add3A_889 = arith.addi %mul3A_809, %add3A_888 : vector<16xi32>
    %swap3A_890 = arith.constant 144 : index
    %swap3A_891 = tpu.vector_load %arg19[%swap3A_890] {strides = array<i32>} : memref<320xi32, #tpu.memory_space<vmem>>, vector<16xi32>,
    %swap3A_892 = vector.shape_cast %swap3A_891 : vector<16xi32> to vector<16xi32>
    %swap3A_893 = vector.shape_cast %add3A_889 : vector<16xi32> to vector<16xi32>
    tpu.vector_store %arg19[%swap3A_890], %swap3A_893 {strides = array<i32>} : memref<320xi32, #tpu.memory_space<vmem>>, vector<16xi32>,
    %add3A_894 = arith.constant 320 : i32
    %add3A_895 = arith.addi %add3A_813, %add3A_894 : i32
    %add3A_896 = vector.broadcast %add3A_895 : i32 to vector<16xi32>
    %add3A_897 = arith.addi %mul3A_809, %add3A_896 : vector<16xi32>
    %swap3A_898 = arith.constant 160 : index
    %swap3A_899 = tpu.vector_load %arg19[%swap3A_898] {strides = array<i32>} : memref<320xi32, #tpu.memory_space<vmem>>, vector<16xi32>,
    %swap3A_900 = vector.shape_cast %swap3A_899 : vector<16xi32> to vector<16xi32>
    %swap3A_901 = vector.shape_cast %add3A_897 : vector<16xi32> to vector<16xi32>
    tpu.vector_store %arg19[%swap3A_898], %swap3A_901 {strides = array<i32>} : memref<320xi32, #tpu.memory_space<vmem>>, vector<16xi32>,
    %add3A_902 = arith.constant 352 : i32
    %add3A_903 = arith.addi %add3A_813, %add3A_902 : i32
    %add3A_904 = vector.broadcast %add3A_903 : i32 to vector<16xi32>
    %add3A_905 = arith.addi %mul3A_809, %add3A_904 : vector<16xi32>
    %swap3A_906 = arith.constant 176 : index
    %swap3A_907 = tpu.vector_load %arg19[%swap3A_906] {strides = array<i32>} : memref<320xi32, #tpu.memory_space<vmem>>, vector<16xi32>,
    %swap3A_908 = vector.shape_cast %swap3A_907 : vector<16xi32> to vector<16xi32>
    %swap3A_909 = vector.shape_cast %add3A_905 : vector<16xi32> to vector<16xi32>
    tpu.vector_store %arg19[%swap3A_906], %swap3A_909 {strides = array<i32>} : memref<320xi32, #tpu.memory_space<vmem>>, vector<16xi32>,
    %add3A_910 = arith.constant 384 : i32
    %add3A_911 = arith.addi %add3A_813, %add3A_910 : i32
    %add3A_912 = vector.broadcast %add3A_911 : i32 to vector<16xi32>
    %add3A_913 = arith.addi %mul3A_809, %add3A_912 : vector<16xi32>
    %swap3A_914 = arith.constant 192 : index
    %swap3A_915 = tpu.vector_load %arg19[%swap3A_914] {strides = array<i32>} : memref<320xi32, #tpu.memory_space<vmem>>, vector<16xi32>,
    %swap3A_916 = vector.shape_cast %swap3A_915 : vector<16xi32> to vector<16xi32>
    %swap3A_917 = vector.shape_cast %add3A_913 : vector<16xi32> to vector<16xi32>
    tpu.vector_store %arg19[%swap3A_914], %swap3A_917 {strides = array<i32>} : memref<320xi32, #tpu.memory_space<vmem>>, vector<16xi32>,
    %add3A_918 = arith.constant 416 : i32
    %add3A_919 = arith.addi %add3A_813, %add3A_918 : i32
    %add3A_920 = vector.broadcast %add3A_919 : i32 to vector<16xi32>
    %add3A_921 = arith.addi %mul3A_809, %add3A_920 : vector<16xi32>
    %swap3A_922 = arith.constant 208 : index
    %swap3A_923 = tpu.vector_load %arg19[%swap3A_922] {strides = array<i32>} : memref<320xi32, #tpu.memory_space<vmem>>, vector<16xi32>,
    %swap3A_924 = vector.shape_cast %swap3A_923 : vector<16xi32> to vector<16xi32>
    %swap3A_925 = vector.shape_cast %add3A_921 : vector<16xi32> to vector<16xi32>
    tpu.vector_store %arg19[%swap3A_922], %swap3A_925 {strides = array<i32>} : memref<320xi32, #tpu.memory_space<vmem>>, vector<16xi32>,
    %add3A_926 = arith.constant 448 : i32
    %add3A_927 = arith.addi %add3A_813, %add3A_926 : i32
    %add3A_928 = vector.broadcast %add3A_927 : i32 to vector<16xi32>
    %add3A_929 = arith.addi %mul3A_809, %add3A_928 : vector<16xi32>
    %swap3A_930 = arith.constant 224 : index
    %swap3A_931 = tpu.vector_load %arg19[%swap3A_930] {strides = array<i32>} : memref<320xi32, #tpu.memory_space<vmem>>, vector<16xi32>,
    %swap3A_932 = vector.shape_cast %swap3A_931 : vector<16xi32> to vector<16xi32>
    %swap3A_933 = vector.shape_cast %add3A_929 : vector<16xi32> to vector<16xi32>
    tpu.vector_store %arg19[%swap3A_930], %swap3A_933 {strides = array<i32>} : memref<320xi32, #tpu.memory_space<vmem>>, vector<16xi32>,
    %add3A_934 = arith.constant 480 : i32
    %add3A_935 = arith.addi %add3A_813, %add3A_934 : i32
    %add3A_936 = vector.broadcast %add3A_935 : i32 to vector<16xi32>
    %add3A_937 = arith.addi %mul3A_809, %add3A_936 : vector<16xi32>
    %swap3A_938 = arith.constant 240 : index
    %swap3A_939 = tpu.vector_load %arg19[%swap3A_938] {strides = array<i32>} : memref<320xi32, #tpu.memory_space<vmem>>, vector<16xi32>,
    %swap3A_940 = vector.shape_cast %swap3A_939 : vector<16xi32> to vector<16xi32>
    %swap3A_941 = vector.shape_cast %add3A_937 : vector<16xi32> to vector<16xi32>
    tpu.vector_store %arg19[%swap3A_938], %swap3A_941 {strides = array<i32>} : memref<320xi32, #tpu.memory_space<vmem>>, vector<16xi32>,
    %add3A_942 = arith.constant 512 : i32
    %add3A_943 = arith.addi %add3A_813, %add3A_942 : i32
    %add3A_944 = vector.broadcast %add3A_943 : i32 to vector<16xi32>
    %add3A_945 = arith.addi %mul3A_809, %add3A_944 : vector<16xi32>
    %swap3A_946 = arith.constant 256 : index
    %swap3A_947 = tpu.vector_load %arg19[%swap3A_946] {strides = array<i32>} : memref<320xi32, #tpu.memory_space<vmem>>, vector<16xi32>,
    %swap3A_948 = vector.shape_cast %swap3A_947 : vector<16xi32> to vector<16xi32>
    %swap3A_949 = vector.shape_cast %add3A_945 : vector<16xi32> to vector<16xi32>
    tpu.vector_store %arg19[%swap3A_946], %swap3A_949 {strides = array<i32>} : memref<320xi32, #tpu.memory_space<vmem>>, vector<16xi32>,
    %add3A_950 = arith.constant 544 : i32
    %add3A_951 = arith.addi %add3A_813, %add3A_950 : i32
    %add3A_952 = vector.broadcast %add3A_951 : i32 to vector<16xi32>
    %add3A_953 = arith.addi %mul3A_809, %add3A_952 : vector<16xi32>
    %swap3A_954 = arith.constant 272 : index
    %swap3A_955 = tpu.vector_load %arg19[%swap3A_954] {strides = array<i32>} : memref<320xi32, #tpu.memory_space<vmem>>, vector<16xi32>,
    %swap3A_956 = vector.shape_cast %swap3A_955 : vector<16xi32> to vector<16xi32>
    %swap3A_957 = vector.shape_cast %add3A_953 : vector<16xi32> to vector<16xi32>
    tpu.vector_store %arg19[%swap3A_954], %swap3A_957 {strides = array<i32>} : memref<320xi32, #tpu.memory_space<vmem>>, vector<16xi32>,
    %add3A_958 = arith.constant 576 : i32
    %add3A_959 = arith.addi %add3A_813, %add3A_958 : i32
    %add3A_960 = vector.broadcast %add3A_959 : i32 to vector<16xi32>
    %add3A_961 = arith.addi %mul3A_809, %add3A_960 : vector<16xi32>
    %swap3A_962 = arith.constant 288 : index
    %swap3A_963 = tpu.vector_load %arg19[%swap3A_962] {strides = array<i32>} : memref<320xi32, #tpu.memory_space<vmem>>, vector<16xi32>,
    %swap3A_964 = vector.shape_cast %swap3A_963 : vector<16xi32> to vector<16xi32>
    %swap3A_965 = vector.shape_cast %add3A_961 : vector<16xi32> to vector<16xi32>
    tpu.vector_store %arg19[%swap3A_962], %swap3A_965 {strides = array<i32>} : memref<320xi32, #tpu.memory_space<vmem>>, vector<16xi32>,
    %add3A_966 = arith.constant 608 : i32
    %add3A_967 = arith.addi %add3A_813, %add3A_966 : i32
    %add3A_968 = vector.broadcast %add3A_967 : i32 to vector<16xi32>
    %add3A_969 = arith.addi %mul3A_809, %add3A_968 : vector<16xi32>
    %swap3A_970 = arith.constant 304 : index
    %swap3A_971 = tpu.vector_load %arg19[%swap3A_970] {strides = array<i32>} : memref<320xi32, #tpu.memory_space<vmem>>, vector<16xi32>,
    %swap3A_972 = vector.shape_cast %swap3A_971 : vector<16xi32> to vector<16xi32>
    %swap3A_973 = vector.shape_cast %add3A_969 : vector<16xi32> to vector<16xi32>
    tpu.vector_store %arg19[%swap3A_970], %swap3A_973 {strides = array<i32>} : memref<320xi32, #tpu.memory_space<vmem>>, vector<16xi32>,
    %iota3A_974 = tpu.iota {dimensions = array<i32: 0>} : vector<16xi32>
    %mul3A_975 = arith.constant 2 : i32
    %mul3A_976 = vector.broadcast %mul3A_975 : i32 to vector<16xi32>
    %mul3A_977 = arith.muli %iota3A_974, %mul3A_976 : vector<16xi32>
    %mul3A_978 = arith.constant 2 : i32
    %mul3A_979 = arith.muli %min3A_7, %mul3A_978 : i32
    %add3A_980 = arith.constant 1 : i32
    %add3A_981 = arith.addi %mul3A_979, %add3A_980 : i32
    %add3A_982 = arith.constant 0 : i32
    %add3A_983 = arith.addi %add3A_981, %add3A_982 : i32
    %add3A_984 = vector.broadcast %add3A_983 : i32 to vector<16xi32>
    %add3A_985 = arith.addi %mul3A_977, %add3A_984 : vector<16xi32>
    %swap3A_986 = arith.constant 0 : index
    %swap3A_987 = tpu.vector_load %arg20[%swap3A_986] {strides = array<i32>} : memref<320xi32, #tpu.memory_space<vmem>>, vector<16xi32>,
    %swap3A_988 = vector.shape_cast %swap3A_987 : vector<16xi32> to vector<16xi32>
    %swap3A_989 = vector.shape_cast %add3A_985 : vector<16xi32> to vector<16xi32>
    tpu.vector_store %arg20[%swap3A_986], %swap3A_989 {strides = array<i32>} : memref<320xi32, #tpu.memory_space<vmem>>, vector<16xi32>,
    %add3A_990 = arith.constant 32 : i32
    %add3A_991 = arith.addi %add3A_981, %add3A_990 : i32
    %add3A_992 = vector.broadcast %add3A_991 : i32 to vector<16xi32>
    %add3A_993 = arith.addi %mul3A_977, %add3A_992 : vector<16xi32>
    %swap3A_994 = arith.constant 16 : index
    %swap3A_995 = tpu.vector_load %arg20[%swap3A_994] {strides = array<i32>} : memref<320xi32, #tpu.memory_space<vmem>>, vector<16xi32>,
    %swap3A_996 = vector.shape_cast %swap3A_995 : vector<16xi32> to vector<16xi32>
    %swap3A_997 = vector.shape_cast %add3A_993 : vector<16xi32> to vector<16xi32>
    tpu.vector_store %arg20[%swap3A_994], %swap3A_997 {strides = array<i32>} : memref<320xi32, #tpu.memory_space<vmem>>, vector<16xi32>,
    %add3A_998 = arith.constant 64 : i32
    %add3A_999 = arith.addi %add3A_981, %add3A_998 : i32
    %add3A_1000 = vector.broadcast %add3A_999 : i32 to vector<16xi32>
    %add3A_1001 = arith.addi %mul3A_977, %add3A_1000 : vector<16xi32>
    %swap3A_1002 = arith.constant 32 : index
    %swap3A_1003 = tpu.vector_load %arg20[%swap3A_1002] {strides = array<i32>} : memref<320xi32, #tpu.memory_space<vmem>>, vector<16xi32>,
    %swap3A_1004 = vector.shape_cast %swap3A_1003 : vector<16xi32> to vector<16xi32>
    %swap3A_1005 = vector.shape_cast %add3A_1001 : vector<16xi32> to vector<16xi32>
    tpu.vector_store %arg20[%swap3A_1002], %swap3A_1005 {strides = array<i32>} : memref<320xi32, #tpu.memory_space<vmem>>, vector<16xi32>,
    %add3A_1006 = arith.constant 96 : i32
    %add3A_1007 = arith.addi %add3A_981, %add3A_1006 : i32
    %add3A_1008 = vector.broadcast %add3A_1007 : i32 to vector<16xi32>
    %add3A_1009 = arith.addi %mul3A_977, %add3A_1008 : vector<16xi32>
    %swap3A_1010 = arith.constant 48 : index
    %swap3A_1011 = tpu.vector_load %arg20[%swap3A_1010] {strides = array<i32>} : memref<320xi32, #tpu.memory_space<vmem>>, vector<16xi32>,
    %swap3A_1012 = vector.shape_cast %swap3A_1011 : vector<16xi32> to vector<16xi32>
    %swap3A_1013 = vector.shape_cast %add3A_1009 : vector<16xi32> to vector<16xi32>
    tpu.vector_store %arg20[%swap3A_1010], %swap3A_1013 {strides = array<i32>} : memref<320xi32, #tpu.memory_space<vmem>>, vector<16xi32>,
    %add3A_1014 = arith.constant 128 : i32
    %add3A_1015 = arith.addi %add3A_981, %add3A_1014 : i32
    %add3A_1016 = vector.broadcast %add3A_1015 : i32 to vector<16xi32>
    %add3A_1017 = arith.addi %mul3A_977, %add3A_1016 : vector<16xi32>
    %swap3A_1018 = arith.constant 64 : index
    %swap3A_1019 = tpu.vector_load %arg20[%swap3A_1018] {strides = array<i32>} : memref<320xi32, #tpu.memory_space<vmem>>, vector<16xi32>,
    %swap3A_1020 = vector.shape_cast %swap3A_1019 : vector<16xi32> to vector<16xi32>
    %swap3A_1021 = vector.shape_cast %add3A_1017 : vector<16xi32> to vector<16xi32>
    tpu.vector_store %arg20[%swap3A_1018], %swap3A_1021 {strides = array<i32>} : memref<320xi32, #tpu.memory_space<vmem>>, vector<16xi32>,
    %add3A_1022 = arith.constant 160 : i32
    %add3A_1023 = arith.addi %add3A_981, %add3A_1022 : i32
    %add3A_1024 = vector.broadcast %add3A_1023 : i32 to vector<16xi32>
    %add3A_1025 = arith.addi %mul3A_977, %add3A_1024 : vector<16xi32>
    %swap3A_1026 = arith.constant 80 : index
    %swap3A_1027 = tpu.vector_load %arg20[%swap3A_1026] {strides = array<i32>} : memref<320xi32, #tpu.memory_space<vmem>>, vector<16xi32>,
    %swap3A_1028 = vector.shape_cast %swap3A_1027 : vector<16xi32> to vector<16xi32>
    %swap3A_1029 = vector.shape_cast %add3A_1025 : vector<16xi32> to vector<16xi32>
    tpu.vector_store %arg20[%swap3A_1026], %swap3A_1029 {strides = array<i32>} : memref<320xi32, #tpu.memory_space<vmem>>, vector<16xi32>,
    %add3A_1030 = arith.constant 192 : i32
    %add3A_1031 = arith.addi %add3A_981, %add3A_1030 : i32
    %add3A_1032 = vector.broadcast %add3A_1031 : i32 to vector<16xi32>
    %add3A_1033 = arith.addi %mul3A_977, %add3A_1032 : vector<16xi32>
    %swap3A_1034 = arith.constant 96 : index
    %swap3A_1035 = tpu.vector_load %arg20[%swap3A_1034] {strides = array<i32>} : memref<320xi32, #tpu.memory_space<vmem>>, vector<16xi32>,
    %swap3A_1036 = vector.shape_cast %swap3A_1035 : vector<16xi32> to vector<16xi32>
    %swap3A_1037 = vector.shape_cast %add3A_1033 : vector<16xi32> to vector<16xi32>
    tpu.vector_store %arg20[%swap3A_1034], %swap3A_1037 {strides = array<i32>} : memref<320xi32, #tpu.memory_space<vmem>>, vector<16xi32>,
    %add3A_1038 = arith.constant 224 : i32
    %add3A_1039 = arith.addi %add3A_981, %add3A_1038 : i32
    %add3A_1040 = vector.broadcast %add3A_1039 : i32 to vector<16xi32>
    %add3A_1041 = arith.addi %mul3A_977, %add3A_1040 : vector<16xi32>
    %swap3A_1042 = arith.constant 112 : index
    %swap3A_1043 = tpu.vector_load %arg20[%swap3A_1042] {strides = array<i32>} : memref<320xi32, #tpu.memory_space<vmem>>, vector<16xi32>,
    %swap3A_1044 = vector.shape_cast %swap3A_1043 : vector<16xi32> to vector<16xi32>
    %swap3A_1045 = vector.shape_cast %add3A_1041 : vector<16xi32> to vector<16xi32>
    tpu.vector_store %arg20[%swap3A_1042], %swap3A_1045 {strides = array<i32>} : memref<320xi32, #tpu.memory_space<vmem>>, vector<16xi32>,
    %add3A_1046 = arith.constant 256 : i32
    %add3A_1047 = arith.addi %add3A_981, %add3A_1046 : i32
    %add3A_1048 = vector.broadcast %add3A_1047 : i32 to vector<16xi32>
    %add3A_1049 = arith.addi %mul3A_977, %add3A_1048 : vector<16xi32>
    %swap3A_1050 = arith.constant 128 : index
    %swap3A_1051 = tpu.vector_load %arg20[%swap3A_1050] {strides = array<i32>} : memref<320xi32, #tpu.memory_space<vmem>>, vector<16xi32>,
    %swap3A_1052 = vector.shape_cast %swap3A_1051 : vector<16xi32> to vector<16xi32>
    %swap3A_1053 = vector.shape_cast %add3A_1049 : vector<16xi32> to vector<16xi32>
    tpu.vector_store %arg20[%swap3A_1050], %swap3A_1053 {strides = array<i32>} : memref<320xi32, #tpu.memory_space<vmem>>, vector<16xi32>,
    %add3A_1054 = arith.constant 288 : i32
    %add3A_1055 = arith.addi %add3A_981, %add3A_1054 : i32
    %add3A_1056 = vector.broadcast %add3A_1055 : i32 to vector<16xi32>
    %add3A_1057 = arith.addi %mul3A_977, %add3A_1056 : vector<16xi32>
    %swap3A_1058 = arith.constant 144 : index
    %swap3A_1059 = tpu.vector_load %arg20[%swap3A_1058] {strides = array<i32>} : memref<320xi32, #tpu.memory_space<vmem>>, vector<16xi32>,
    %swap3A_1060 = vector.shape_cast %swap3A_1059 : vector<16xi32> to vector<16xi32>
    %swap3A_1061 = vector.shape_cast %add3A_1057 : vector<16xi32> to vector<16xi32>
    tpu.vector_store %arg20[%swap3A_1058], %swap3A_1061 {strides = array<i32>} : memref<320xi32, #tpu.memory_space<vmem>>, vector<16xi32>,
    %add3A_1062 = arith.constant 320 : i32
    %add3A_1063 = arith.addi %add3A_981, %add3A_1062 : i32
    %add3A_1064 = vector.broadcast %add3A_1063 : i32 to vector<16xi32>
    %add3A_1065 = arith.addi %mul3A_977, %add3A_1064 : vector<16xi32>
    %swap3A_1066 = arith.constant 160 : index
    %swap3A_1067 = tpu.vector_load %arg20[%swap3A_1066] {strides = array<i32>} : memref<320xi32, #tpu.memory_space<vmem>>, vector<16xi32>,
    %swap3A_1068 = vector.shape_cast %swap3A_1067 : vector<16xi32> to vector<16xi32>
    %swap3A_1069 = vector.shape_cast %add3A_1065 : vector<16xi32> to vector<16xi32>
    tpu.vector_store %arg20[%swap3A_1066], %swap3A_1069 {strides = array<i32>} : memref<320xi32, #tpu.memory_space<vmem>>, vector<16xi32>,
    %add3A_1070 = arith.constant 352 : i32
    %add3A_1071 = arith.addi %add3A_981, %add3A_1070 : i32
    %add3A_1072 = vector.broadcast %add3A_1071 : i32 to vector<16xi32>
    %add3A_1073 = arith.addi %mul3A_977, %add3A_1072 : vector<16xi32>
    %swap3A_1074 = arith.constant 176 : index
    %swap3A_1075 = tpu.vector_load %arg20[%swap3A_1074] {strides = array<i32>} : memref<320xi32, #tpu.memory_space<vmem>>, vector<16xi32>,
    %swap3A_1076 = vector.shape_cast %swap3A_1075 : vector<16xi32> to vector<16xi32>
    %swap3A_1077 = vector.shape_cast %add3A_1073 : vector<16xi32> to vector<16xi32>
    tpu.vector_store %arg20[%swap3A_1074], %swap3A_1077 {strides = array<i32>} : memref<320xi32, #tpu.memory_space<vmem>>, vector<16xi32>,
    %add3A_1078 = arith.constant 384 : i32
    %add3A_1079 = arith.addi %add3A_981, %add3A_1078 : i32
    %add3A_1080 = vector.broadcast %add3A_1079 : i32 to vector<16xi32>
    %add3A_1081 = arith.addi %mul3A_977, %add3A_1080 : vector<16xi32>
    %swap3A_1082 = arith.constant 192 : index
    %swap3A_1083 = tpu.vector_load %arg20[%swap3A_1082] {strides = array<i32>} : memref<320xi32, #tpu.memory_space<vmem>>, vector<16xi32>,
    %swap3A_1084 = vector.shape_cast %swap3A_1083 : vector<16xi32> to vector<16xi32>
    %swap3A_1085 = vector.shape_cast %add3A_1081 : vector<16xi32> to vector<16xi32>
    tpu.vector_store %arg20[%swap3A_1082], %swap3A_1085 {strides = array<i32>} : memref<320xi32, #tpu.memory_space<vmem>>, vector<16xi32>,
    %add3A_1086 = arith.constant 416 : i32
    %add3A_1087 = arith.addi %add3A_981, %add3A_1086 : i32
    %add3A_1088 = vector.broadcast %add3A_1087 : i32 to vector<16xi32>
    %add3A_1089 = arith.addi %mul3A_977, %add3A_1088 : vector<16xi32>
    %swap3A_1090 = arith.constant 208 : index
    %swap3A_1091 = tpu.vector_load %arg20[%swap3A_1090] {strides = array<i32>} : memref<320xi32, #tpu.memory_space<vmem>>, vector<16xi32>,
    %swap3A_1092 = vector.shape_cast %swap3A_1091 : vector<16xi32> to vector<16xi32>
    %swap3A_1093 = vector.shape_cast %add3A_1089 : vector<16xi32> to vector<16xi32>
    tpu.vector_store %arg20[%swap3A_1090], %swap3A_1093 {strides = array<i32>} : memref<320xi32, #tpu.memory_space<vmem>>, vector<16xi32>,
    %add3A_1094 = arith.constant 448 : i32
    %add3A_1095 = arith.addi %add3A_981, %add3A_1094 : i32
    %add3A_1096 = vector.broadcast %add3A_1095 : i32 to vector<16xi32>
    %add3A_1097 = arith.addi %mul3A_977, %add3A_1096 : vector<16xi32>
    %swap3A_1098 = arith.constant 224 : index
    %swap3A_1099 = tpu.vector_load %arg20[%swap3A_1098] {strides = array<i32>} : memref<320xi32, #tpu.memory_space<vmem>>, vector<16xi32>,
    %swap3A_1100 = vector.shape_cast %swap3A_1099 : vector<16xi32> to vector<16xi32>
    %swap3A_1101 = vector.shape_cast %add3A_1097 : vector<16xi32> to vector<16xi32>
    tpu.vector_store %arg20[%swap3A_1098], %swap3A_1101 {strides = array<i32>} : memref<320xi32, #tpu.memory_space<vmem>>, vector<16xi32>,
    %add3A_1102 = arith.constant 480 : i32
    %add3A_1103 = arith.addi %add3A_981, %add3A_1102 : i32
    %add3A_1104 = vector.broadcast %add3A_1103 : i32 to vector<16xi32>
    %add3A_1105 = arith.addi %mul3A_977, %add3A_1104 : vector<16xi32>
    %swap3A_1106 = arith.constant 240 : index
    %swap3A_1107 = tpu.vector_load %arg20[%swap3A_1106] {strides = array<i32>} : memref<320xi32, #tpu.memory_space<vmem>>, vector<16xi32>,
    %swap3A_1108 = vector.shape_cast %swap3A_1107 : vector<16xi32> to vector<16xi32>
    %swap3A_1109 = vector.shape_cast %add3A_1105 : vector<16xi32> to vector<16xi32>
    tpu.vector_store %arg20[%swap3A_1106], %swap3A_1109 {strides = array<i32>} : memref<320xi32, #tpu.memory_space<vmem>>, vector<16xi32>,
    %add3A_1110 = arith.constant 512 : i32
    %add3A_1111 = arith.addi %add3A_981, %add3A_1110 : i32
    %add3A_1112 = vector.broadcast %add3A_1111 : i32 to vector<16xi32>
    %add3A_1113 = arith.addi %mul3A_977, %add3A_1112 : vector<16xi32>
    %swap3A_1114 = arith.constant 256 : index
    %swap3A_1115 = tpu.vector_load %arg20[%swap3A_1114] {strides = array<i32>} : memref<320xi32, #tpu.memory_space<vmem>>, vector<16xi32>,
    %swap3A_1116 = vector.shape_cast %swap3A_1115 : vector<16xi32> to vector<16xi32>
    %swap3A_1117 = vector.shape_cast %add3A_1113 : vector<16xi32> to vector<16xi32>
    tpu.vector_store %arg20[%swap3A_1114], %swap3A_1117 {strides = array<i32>} : memref<320xi32, #tpu.memory_space<vmem>>, vector<16xi32>,
    %add3A_1118 = arith.constant 544 : i32
    %add3A_1119 = arith.addi %add3A_981, %add3A_1118 : i32
    %add3A_1120 = vector.broadcast %add3A_1119 : i32 to vector<16xi32>
    %add3A_1121 = arith.addi %mul3A_977, %add3A_1120 : vector<16xi32>
    %swap3A_1122 = arith.constant 272 : index
    %swap3A_1123 = tpu.vector_load %arg20[%swap3A_1122] {strides = array<i32>} : memref<320xi32, #tpu.memory_space<vmem>>, vector<16xi32>,
    %swap3A_1124 = vector.shape_cast %swap3A_1123 : vector<16xi32> to vector<16xi32>
    %swap3A_1125 = vector.shape_cast %add3A_1121 : vector<16xi32> to vector<16xi32>
    tpu.vector_store %arg20[%swap3A_1122], %swap3A_1125 {strides = array<i32>} : memref<320xi32, #tpu.memory_space<vmem>>, vector<16xi32>,
    %add3A_1126 = arith.constant 576 : i32
    %add3A_1127 = arith.addi %add3A_981, %add3A_1126 : i32
    %add3A_1128 = vector.broadcast %add3A_1127 : i32 to vector<16xi32>
    %add3A_1129 = arith.addi %mul3A_977, %add3A_1128 : vector<16xi32>
    %swap3A_1130 = arith.constant 288 : index
    %swap3A_1131 = tpu.vector_load %arg20[%swap3A_1130] {strides = array<i32>} : memref<320xi32, #tpu.memory_space<vmem>>, vector<16xi32>,
    %swap3A_1132 = vector.shape_cast %swap3A_1131 : vector<16xi32> to vector<16xi32>
    %swap3A_1133 = vector.shape_cast %add3A_1129 : vector<16xi32> to vector<16xi32>
    tpu.vector_store %arg20[%swap3A_1130], %swap3A_1133 {strides = array<i32>} : memref<320xi32, #tpu.memory_space<vmem>>, vector<16xi32>,
    %add3A_1134 = arith.constant 608 : i32
    %add3A_1135 = arith.addi %add3A_981, %add3A_1134 : i32
    %add3A_1136 = vector.broadcast %add3A_1135 : i32 to vector<16xi32>
    %add3A_1137 = arith.addi %mul3A_977, %add3A_1136 : vector<16xi32>
    %swap3A_1138 = arith.constant 304 : index
    %swap3A_1139 = tpu.vector_load %arg20[%swap3A_1138] {strides = array<i32>} : memref<320xi32, #tpu.memory_space<vmem>>, vector<16xi32>,
    %swap3A_1140 = vector.shape_cast %swap3A_1139 : vector<16xi32> to vector<16xi32>
    %swap3A_1141 = vector.shape_cast %add3A_1137 : vector<16xi32> to vector<16xi32>
    tpu.vector_store %arg20[%swap3A_1138], %swap3A_1141 {strides = array<i32>} : memref<320xi32, #tpu.memory_space<vmem>>, vector<16xi32>,
    %dma_start3A = arith.constant 0 : i32
    %dma_start3A_1142 = tpu.memref_slice %arg3[%dma_start3A] : memref<50000xi32, #tpu.memory_space<hbm>> -> memref<50000xi32, #tpu.memory_space<hbm>>
    tpu.enqueue_indirect_dma source(%dma_start3A_1142 : memref<50000xi32, #tpu.memory_space<hbm>>) target(%arg15 : memref<784xi32, #tpu.memory_space<vmem>>) offsets(%arg13 : memref<784xi32, #tpu.memory_space<vmem>>) semaphore(%arg29 : memref<!tpu.dma_semaphore, #tpu.memory_space<semaphore_mem>>)
    %dma_start3A_1143 = arith.constant 0 : i32
    %dma_start3A_1144 = tpu.memref_slice %arg5[%dma_start3A_1143] : memref<20000xi32, #tpu.memory_space<hbm>> -> memref<20000xi32, #tpu.memory_space<hbm>>
    tpu.enqueue_indirect_dma source(%dma_start3A_1144 : memref<20000xi32, #tpu.memory_space<hbm>>) target(%arg21 : memref<320xi32, #tpu.memory_space<vmem>>) offsets(%arg19 : memref<320xi32, #tpu.memory_space<vmem>>) semaphore(%arg29 : memref<!tpu.dma_semaphore, #tpu.memory_space<semaphore_mem>>)
    %dma_start3A_1145 = arith.constant 0 : i32
    %dma_start3A_1146 = tpu.memref_slice %arg3[%dma_start3A_1145] : memref<50000xi32, #tpu.memory_space<hbm>> -> memref<50000xi32, #tpu.memory_space<hbm>>
    tpu.enqueue_indirect_dma source(%dma_start3A_1146 : memref<50000xi32, #tpu.memory_space<hbm>>) target(%arg16 : memref<784xi32, #tpu.memory_space<vmem>>) offsets(%arg14 : memref<784xi32, #tpu.memory_space<vmem>>) semaphore(%arg29 : memref<!tpu.dma_semaphore, #tpu.memory_space<semaphore_mem>>)
    %dma_start3A_1147 = arith.constant 0 : i32
    %dma_start3A_1148 = tpu.memref_slice %arg5[%dma_start3A_1147] : memref<20000xi32, #tpu.memory_space<hbm>> -> memref<20000xi32, #tpu.memory_space<hbm>>
    tpu.enqueue_indirect_dma source(%dma_start3A_1148 : memref<20000xi32, #tpu.memory_space<hbm>>) target(%arg22 : memref<320xi32, #tpu.memory_space<vmem>>) offsets(%arg20 : memref<320xi32, #tpu.memory_space<vmem>>) semaphore(%arg29 : memref<!tpu.dma_semaphore, #tpu.memory_space<semaphore_mem>>)
    %dma_wait3A = arith.constant 0 : i32
    %dma_wait3A_1149 = tpu.memref_slice %arg3[%dma_wait3A] : memref<50000xi32, #tpu.memory_space<hbm>> -> memref<50000xi32, #tpu.memory_space<hbm>>
    tpu.wait_indirect_dma semaphore(%arg29 : memref<!tpu.dma_semaphore, #tpu.memory_space<semaphore_mem>>) src(%dma_wait3A_1149 : memref<50000xi32, #tpu.memory_space<hbm>>) dst(%arg15 : memref<784xi32, #tpu.memory_space<vmem>>)
    %dma_wait3A_1150 = arith.constant 0 : i32
    %dma_wait3A_1151 = tpu.memref_slice %arg5[%dma_wait3A_1150] : memref<20000xi32, #tpu.memory_space<hbm>> -> memref<20000xi32, #tpu.memory_space<hbm>>
    tpu.wait_indirect_dma semaphore(%arg29 : memref<!tpu.dma_semaphore, #tpu.memory_space<semaphore_mem>>) src(%dma_wait3A_1151 : memref<20000xi32, #tpu.memory_space<hbm>>) dst(%arg21 : memref<320xi32, #tpu.memory_space<vmem>>)
    %dma_wait3A_1152 = arith.constant 0 : i32
    %dma_wait3A_1153 = tpu.memref_slice %arg3[%dma_wait3A_1152] : memref<50000xi32, #tpu.memory_space<hbm>> -> memref<50000xi32, #tpu.memory_space<hbm>>
    tpu.wait_indirect_dma semaphore(%arg29 : memref<!tpu.dma_semaphore, #tpu.memory_space<semaphore_mem>>) src(%dma_wait3A_1153 : memref<50000xi32, #tpu.memory_space<hbm>>) dst(%arg16 : memref<784xi32, #tpu.memory_space<vmem>>)
    %dma_wait3A_1154 = arith.constant 0 : i32
    %dma_wait3A_1155 = tpu.memref_slice %arg5[%dma_wait3A_1154] : memref<20000xi32, #tpu.memory_space<hbm>> -> memref<20000xi32, #tpu.memory_space<hbm>>
    tpu.wait_indirect_dma semaphore(%arg29 : memref<!tpu.dma_semaphore, #tpu.memory_space<semaphore_mem>>) src(%dma_wait3A_1155 : memref<20000xi32, #tpu.memory_space<hbm>>) dst(%arg22 : memref<320xi32, #tpu.memory_space<vmem>>)
    %dma_start3A_1156 = arith.constant 0 : i32
    %dma_start3A_1157 = tpu.memref_slice %arg2[%dma_start3A_1156] : memref<100000xf32, #tpu.memory_space<hbm>> -> memref<100000xf32, #tpu.memory_space<hbm>>
    tpu.enqueue_indirect_dma source(%dma_start3A_1157 : memref<100000xf32, #tpu.memory_space<hbm>>) target(%arg17 : memref<784xf32, #tpu.memory_space<vmem>>) offsets(%arg15 : memref<784xi32, #tpu.memory_space<vmem>>) semaphore(%arg29 : memref<!tpu.dma_semaphore, #tpu.memory_space<semaphore_mem>>)
    %dma_start3A_1158 = arith.constant 0 : i32
    %dma_start3A_1159 = tpu.memref_slice %arg2[%dma_start3A_1158] : memref<100000xf32, #tpu.memory_space<hbm>> -> memref<100000xf32, #tpu.memory_space<hbm>>
    tpu.enqueue_indirect_dma source(%dma_start3A_1159 : memref<100000xf32, #tpu.memory_space<hbm>>) target(%arg23 : memref<320xf32, #tpu.memory_space<vmem>>) offsets(%arg21 : memref<320xi32, #tpu.memory_space<vmem>>) semaphore(%arg29 : memref<!tpu.dma_semaphore, #tpu.memory_space<semaphore_mem>>)
    %dma_start3A_1160 = arith.constant 0 : i32
    %dma_start3A_1161 = tpu.memref_slice %arg2[%dma_start3A_1160] : memref<100000xf32, #tpu.memory_space<hbm>> -> memref<100000xf32, #tpu.memory_space<hbm>>
    tpu.enqueue_indirect_dma source(%dma_start3A_1161 : memref<100000xf32, #tpu.memory_space<hbm>>) target(%arg18 : memref<784xf32, #tpu.memory_space<vmem>>) offsets(%arg16 : memref<784xi32, #tpu.memory_space<vmem>>) semaphore(%arg29 : memref<!tpu.dma_semaphore, #tpu.memory_space<semaphore_mem>>)
    %dma_start3A_1162 = arith.constant 0 : i32
    %dma_start3A_1163 = tpu.memref_slice %arg2[%dma_start3A_1162] : memref<100000xf32, #tpu.memory_space<hbm>> -> memref<100000xf32, #tpu.memory_space<hbm>>
    tpu.enqueue_indirect_dma source(%dma_start3A_1163 : memref<100000xf32, #tpu.memory_space<hbm>>) target(%arg24 : memref<320xf32, #tpu.memory_space<vmem>>) offsets(%arg22 : memref<320xi32, #tpu.memory_space<vmem>>) semaphore(%arg29 : memref<!tpu.dma_semaphore, #tpu.memory_space<semaphore_mem>>)
    %eq3A = arith.constant 0 : i32
    %eq3A_1164 = arith.cmpi eq, %add3A, %eq3A : i32
    %convert_element_type3A = arith.extui %eq3A_1164 : i1 to i32
    %cond3A = arith.constant 0 : i32
    %cond3A_1165 = arith.cmpi ne, %convert_element_type3A, %cond3A : i32
    scf.if %cond3A_1165 {
      "tpu.region"() ({
        %run_scoped3A = tpu.sem_alloc : memref<!tpu.dma_semaphore, #tpu.memory_space<semaphore_mem>>
        tpu.enqueue_dma source(%arg4 : memref<16xi32, #tpu.memory_space<hbm>>) target(%arg25 : memref<16xi32, #tpu.memory_space<vmem>>) target_semaphore(%run_scoped3A : memref<!tpu.dma_semaphore, #tpu.memory_space<semaphore_mem>>)
        tpu.wait_dma2 semaphore(%run_scoped3A : memref<!tpu.dma_semaphore, #tpu.memory_space<semaphore_mem>>) src(%arg4 : memref<16xi32, #tpu.memory_space<hbm>>) dst(%arg25 : memref<16xi32, #tpu.memory_space<vmem>>)
        tpu.yield
      }) : () -> ()
      "tpu.region"() ({
        %run_scoped3A = tpu.sem_alloc : memref<!tpu.dma_semaphore, #tpu.memory_space<semaphore_mem>>
        tpu.enqueue_dma source(%arg6 : memref<2xi32, #tpu.memory_space<hbm>>) target(%arg27 : memref<2xi32, #tpu.memory_space<vmem>>) target_semaphore(%run_scoped3A : memref<!tpu.dma_semaphore, #tpu.memory_space<semaphore_mem>>)
        tpu.wait_dma2 semaphore(%run_scoped3A : memref<!tpu.dma_semaphore, #tpu.memory_space<semaphore_mem>>) src(%arg6 : memref<2xi32, #tpu.memory_space<hbm>>) dst(%arg27 : memref<2xi32, #tpu.memory_space<vmem>>)
        tpu.yield
      }) : () -> ()
      %dma_start3A_1174 = arith.constant 0 : i32
      %dma_start3A_1175 = tpu.memref_slice %arg2[%dma_start3A_1174] : memref<100000xf32, #tpu.memory_space<hbm>> -> memref<100000xf32, #tpu.memory_space<hbm>>
      tpu.enqueue_indirect_dma source(%dma_start3A_1175 : memref<100000xf32, #tpu.memory_space<hbm>>) target(%arg26 : memref<16xf32, #tpu.memory_space<vmem>>) offsets(%arg25 : memref<16xi32, #tpu.memory_space<vmem>>) semaphore(%arg30 : memref<!tpu.dma_semaphore, #tpu.memory_space<semaphore_mem>>)
      %dma_wait3A_1176 = arith.constant 0 : i32
      %dma_wait3A_1177 = tpu.memref_slice %arg2[%dma_wait3A_1176] : memref<100000xf32, #tpu.memory_space<hbm>> -> memref<100000xf32, #tpu.memory_space<hbm>>
      tpu.wait_indirect_dma semaphore(%arg30 : memref<!tpu.dma_semaphore, #tpu.memory_space<semaphore_mem>>) src(%dma_wait3A_1177 : memref<100000xf32, #tpu.memory_space<hbm>>) dst(%arg26 : memref<16xf32, #tpu.memory_space<vmem>>)
      %dma_start3A_1178 = arith.constant 0 : i32
      %dma_start3A_1179 = tpu.memref_slice %arg2[%dma_start3A_1178] : memref<100000xf32, #tpu.memory_space<hbm>> -> memref<100000xf32, #tpu.memory_space<hbm>>
      tpu.enqueue_indirect_dma source(%dma_start3A_1179 : memref<100000xf32, #tpu.memory_space<hbm>>) target(%arg28 : memref<2xf32, #tpu.memory_space<vmem>>) offsets(%arg27 : memref<2xi32, #tpu.memory_space<vmem>>) semaphore(%arg30 : memref<!tpu.dma_semaphore, #tpu.memory_space<semaphore_mem>>)
      %dma_wait3A_1180 = arith.constant 0 : i32
      %dma_wait3A_1181 = tpu.memref_slice %arg2[%dma_wait3A_1180] : memref<100000xf32, #tpu.memory_space<hbm>> -> memref<100000xf32, #tpu.memory_space<hbm>>
      tpu.wait_indirect_dma semaphore(%arg30 : memref<!tpu.dma_semaphore, #tpu.memory_space<semaphore_mem>>) src(%dma_wait3A_1181 : memref<100000xf32, #tpu.memory_space<hbm>>) dst(%arg28 : memref<2xf32, #tpu.memory_space<vmem>>)
      "tpu.region"() ({
        %run_scoped3A = tpu.sem_alloc : memref<!tpu.dma_semaphore, #tpu.memory_space<semaphore_mem>>
        tpu.enqueue_dma source(%arg26 : memref<16xf32, #tpu.memory_space<vmem>>) target(%arg9 : memref<16xf32, #tpu.memory_space<hbm>>) target_semaphore(%run_scoped3A : memref<!tpu.dma_semaphore, #tpu.memory_space<semaphore_mem>>)
        tpu.wait_dma2 semaphore(%run_scoped3A : memref<!tpu.dma_semaphore, #tpu.memory_space<semaphore_mem>>) src(%arg26 : memref<16xf32, #tpu.memory_space<vmem>>) dst(%arg9 : memref<16xf32, #tpu.memory_space<hbm>>)
        tpu.yield
      }) : () -> ()
      "tpu.region"() ({
        %run_scoped3A = tpu.sem_alloc : memref<!tpu.dma_semaphore, #tpu.memory_space<semaphore_mem>>
        tpu.enqueue_dma source(%arg28 : memref<2xf32, #tpu.memory_space<vmem>>) target(%arg12 : memref<2xf32, #tpu.memory_space<hbm>>) target_semaphore(%run_scoped3A : memref<!tpu.dma_semaphore, #tpu.memory_space<semaphore_mem>>)
        tpu.wait_dma2 semaphore(%run_scoped3A : memref<!tpu.dma_semaphore, #tpu.memory_space<semaphore_mem>>) src(%arg28 : memref<2xf32, #tpu.memory_space<vmem>>) dst(%arg12 : memref<2xf32, #tpu.memory_space<hbm>>)
        tpu.yield
      }) : () -> ()
    } else {
    }
    %dma_wait3A_1166 = arith.constant 0 : i32
    %dma_wait3A_1167 = tpu.memref_slice %arg2[%dma_wait3A_1166] : memref<100000xf32, #tpu.memory_space<hbm>> -> memref<100000xf32, #tpu.memory_space<hbm>>
    tpu.wait_indirect_dma semaphore(%arg29 : memref<!tpu.dma_semaphore, #tpu.memory_space<semaphore_mem>>) src(%dma_wait3A_1167 : memref<100000xf32, #tpu.memory_space<hbm>>) dst(%arg17 : memref<784xf32, #tpu.memory_space<vmem>>)
    %dma_wait3A_1168 = arith.constant 0 : i32
    %dma_wait3A_1169 = tpu.memref_slice %arg2[%dma_wait3A_1168] : memref<100000xf32, #tpu.memory_space<hbm>> -> memref<100000xf32, #tpu.memory_space<hbm>>
    tpu.wait_indirect_dma semaphore(%arg29 : memref<!tpu.dma_semaphore, #tpu.memory_space<semaphore_mem>>) src(%dma_wait3A_1169 : memref<100000xf32, #tpu.memory_space<hbm>>) dst(%arg23 : memref<320xf32, #tpu.memory_space<vmem>>)
    %dma_wait3A_1170 = arith.constant 0 : i32
    %dma_wait3A_1171 = tpu.memref_slice %arg2[%dma_wait3A_1170] : memref<100000xf32, #tpu.memory_space<hbm>> -> memref<100000xf32, #tpu.memory_space<hbm>>
    tpu.wait_indirect_dma semaphore(%arg29 : memref<!tpu.dma_semaphore, #tpu.memory_space<semaphore_mem>>) src(%dma_wait3A_1171 : memref<100000xf32, #tpu.memory_space<hbm>>) dst(%arg18 : memref<784xf32, #tpu.memory_space<vmem>>)
    %dma_wait3A_1172 = arith.constant 0 : i32
    %dma_wait3A_1173 = tpu.memref_slice %arg2[%dma_wait3A_1172] : memref<100000xf32, #tpu.memory_space<hbm>> -> memref<100000xf32, #tpu.memory_space<hbm>>
    tpu.wait_indirect_dma semaphore(%arg29 : memref<!tpu.dma_semaphore, #tpu.memory_space<semaphore_mem>>) src(%dma_wait3A_1173 : memref<100000xf32, #tpu.memory_space<hbm>>) dst(%arg24 : memref<320xf32, #tpu.memory_space<vmem>>)
    "tpu.region"() ({
      %run_scoped3A = tpu.sem_alloc : memref<!tpu.dma_semaphore, #tpu.memory_space<semaphore_mem>>
      %dma_start3A_1174 = tpu.memref_slice %arg7[%min3A_3] : memref<25000xf32, #tpu.memory_space<hbm>> -> memref<784xf32, #tpu.memory_space<hbm>>
      %dma_start3A_1175 = tpu.memref_slice %arg7[%min3A_3] : memref<25000xf32, #tpu.memory_space<hbm>> -> memref<784xf32, #tpu.memory_space<hbm>>
      tpu.enqueue_dma source(%arg17 : memref<784xf32, #tpu.memory_space<vmem>>) target(%dma_start3A_1175 : memref<784xf32, #tpu.memory_space<hbm>>) target_semaphore(%run_scoped3A : memref<!tpu.dma_semaphore, #tpu.memory_space<semaphore_mem>>)
      %dma_wait3A_1176 = tpu.memref_slice %arg7[%min3A_3] : memref<25000xf32, #tpu.memory_space<hbm>> -> memref<784xf32, #tpu.memory_space<hbm>>
      %dma_wait3A_1177 = tpu.memref_slice %arg7[%min3A_3] : memref<25000xf32, #tpu.memory_space<hbm>> -> memref<784xf32, #tpu.memory_space<hbm>>
      tpu.wait_dma2 semaphore(%run_scoped3A : memref<!tpu.dma_semaphore, #tpu.memory_space<semaphore_mem>>) src(%arg17 : memref<784xf32, #tpu.memory_space<vmem>>) dst(%dma_wait3A_1177 : memref<784xf32, #tpu.memory_space<hbm>>)
      tpu.yield
    }) : () -> ()
    "tpu.region"() ({
      %run_scoped3A = tpu.sem_alloc : memref<!tpu.dma_semaphore, #tpu.memory_space<semaphore_mem>>
      %dma_start3A_1174 = tpu.memref_slice %arg8[%min3A_3] : memref<25000xf32, #tpu.memory_space<hbm>> -> memref<784xf32, #tpu.memory_space<hbm>>
      %dma_start3A_1175 = tpu.memref_slice %arg8[%min3A_3] : memref<25000xf32, #tpu.memory_space<hbm>> -> memref<784xf32, #tpu.memory_space<hbm>>
      tpu.enqueue_dma source(%arg18 : memref<784xf32, #tpu.memory_space<vmem>>) target(%dma_start3A_1175 : memref<784xf32, #tpu.memory_space<hbm>>) target_semaphore(%run_scoped3A : memref<!tpu.dma_semaphore, #tpu.memory_space<semaphore_mem>>)
      %dma_wait3A_1176 = tpu.memref_slice %arg8[%min3A_3] : memref<25000xf32, #tpu.memory_space<hbm>> -> memref<784xf32, #tpu.memory_space<hbm>>
      %dma_wait3A_1177 = tpu.memref_slice %arg8[%min3A_3] : memref<25000xf32, #tpu.memory_space<hbm>> -> memref<784xf32, #tpu.memory_space<hbm>>
      tpu.wait_dma2 semaphore(%run_scoped3A : memref<!tpu.dma_semaphore, #tpu.memory_space<semaphore_mem>>) src(%arg18 : memref<784xf32, #tpu.memory_space<vmem>>) dst(%dma_wait3A_1177 : memref<784xf32, #tpu.memory_space<hbm>>)
      tpu.yield
    }) : () -> ()
    "tpu.region"() ({
      %run_scoped3A = tpu.sem_alloc : memref<!tpu.dma_semaphore, #tpu.memory_space<semaphore_mem>>
      %dma_start3A_1174 = tpu.memref_slice %arg10[%min3A_7] : memref<10000xf32, #tpu.memory_space<hbm>> -> memref<320xf32, #tpu.memory_space<hbm>>
      %dma_start3A_1175 = tpu.memref_slice %arg10[%min3A_7] : memref<10000xf32, #tpu.memory_space<hbm>> -> memref<320xf32, #tpu.memory_space<hbm>>
      tpu.enqueue_dma source(%arg23 : memref<320xf32, #tpu.memory_space<vmem>>) target(%dma_start3A_1175 : memref<320xf32, #tpu.memory_space<hbm>>) target_semaphore(%run_scoped3A : memref<!tpu.dma_semaphore, #tpu.memory_space<semaphore_mem>>)
      %dma_wait3A_1176 = tpu.memref_slice %arg10[%min3A_7] : memref<10000xf32, #tpu.memory_space<hbm>> -> memref<320xf32, #tpu.memory_space<hbm>>
      %dma_wait3A_1177 = tpu.memref_slice %arg10[%min3A_7] : memref<10000xf32, #tpu.memory_space<hbm>> -> memref<320xf32, #tpu.memory_space<hbm>>
      tpu.wait_dma2 semaphore(%run_scoped3A : memref<!tpu.dma_semaphore, #tpu.memory_space<semaphore_mem>>) src(%arg23 : memref<320xf32, #tpu.memory_space<vmem>>) dst(%dma_wait3A_1177 : memref<320xf32, #tpu.memory_space<hbm>>)
      tpu.yield
    }) : () -> ()
    "tpu.region"() ({
      %run_scoped3A = tpu.sem_alloc : memref<!tpu.dma_semaphore, #tpu.memory_space<semaphore_mem>>
      %dma_start3A_1174 = tpu.memref_slice %arg11[%min3A_7] : memref<10000xf32, #tpu.memory_space<hbm>> -> memref<320xf32, #tpu.memory_space<hbm>>
      %dma_start3A_1175 = tpu.memref_slice %arg11[%min3A_7] : memref<10000xf32, #tpu.memory_space<hbm>> -> memref<320xf32, #tpu.memory_space<hbm>>
      tpu.enqueue_dma source(%arg24 : memref<320xf32, #tpu.memory_space<vmem>>) target(%dma_start3A_1175 : memref<320xf32, #tpu.memory_space<hbm>>) target_semaphore(%run_scoped3A : memref<!tpu.dma_semaphore, #tpu.memory_space<semaphore_mem>>)
      %dma_wait3A_1176 = tpu.memref_slice %arg11[%min3A_7] : memref<10000xf32, #tpu.memory_space<hbm>> -> memref<320xf32, #tpu.memory_space<hbm>>
      %dma_wait3A_1177 = tpu.memref_slice %arg11[%min3A_7] : memref<10000xf32, #tpu.memory_space<hbm>> -> memref<320xf32, #tpu.memory_space<hbm>>
      tpu.wait_dma2 semaphore(%run_scoped3A : memref<!tpu.dma_semaphore, #tpu.memory_space<semaphore_mem>>) src(%arg24 : memref<320xf32, #tpu.memory_space<vmem>>) dst(%dma_wait3A_1177 : memref<320xf32, #tpu.memory_space<hbm>>)
      tpu.yield
    }) : () -> ()
    return
  }
}

</mosaic_0001>

<sc_bundles>
// kernel: kernel.3.cloned.1.call-start
scs
__scs_entry_jumppad:
0x0: {  	(pc) =	sbr.rel $0x88, $3  }
0x1: {  	(tag) =	ssettag $0x0;
	lr =	simm.s32 $0x1  }
0x2: {  	[smem:$0x3F9C] =	sst lr;
	_ =	strace $0xD0000000  }
0x3: {  	_ = 	snop  }
0x4: {  	_ = 	snop  }
0x5: {  	_ = 	snop  }
0x6: {  	_ = 	snop  }
0x7: {  	_ = 	snop  }
__scs_overlays_trampoline_lowered:
0x8: {  	[smem:$0x3FAB] =	sst s0  }
0x9: {  	[smem:$0x3FAC] =	sst s1  }
0xa: {  	[smem:$0x3FAD] =	sst s2  }
0xb: {  	[smem:$0x3FAE] =	sst s3  }
0xc: {  	[smem:$0x3FAF] =	sst s4  }
0xd: {  	[smem:$0x3FB0] =	sst s5  }
0xe: {  	[smem:$0x3FB1] =	sst s6  }
0xf: {  	[smem:$0x3FB2] =	sst s7  }
0x10: {  	[smem:$0x3FB3] =	sst s8  }
0x11: {  	[smem:$0x3FB4] =	sst s9;
	s0 =	simm.s32 @!p0 $0x0  }
0x12: {  	s1 =	sld [smem:$0x3F9A];
	s0 =	simm.s32 @p0 $0x1  }
0x13: {  	[smem:$0x3FB5] =	sst s0;
	s0 =	simm.s32 @!p1 $0x0  }
0x14: {  	s2 =	sld [smem:$0x3F99];
	s0 =	simm.s32 @p1 $0x1  }
0x15: {  	[smem:$0x3FB6] =	sst s0;
	s0 =	simm.s32 @!p2 $0x0  }
0x16: {  	s3 =	sld [smem:$0x3FDB];
	s0 =	simm.s32 @p2 $0x1  }
0x17: {  	s4 =	simm.s32 $0x1BF5;
	[smem:$0x3FB8] =	sst s0  }
0x18: {  	s0 =	sld [smem:$0x3F9B];
	_ =	swait.ge [sflag:s4], $0x0  }
0x19: {  	s7 =	sld [smem:$0x3F9C]  }
0x1a: {  	s8 =	sadd.s32 $0xFFFFE003, lr  }
0x1b: {  	s9 =	sadd.s32 $0xFFFFFEF7, lr;
	s5 =	simm.s32 $0xFFFFFFFF;
	p2 =	slt.u32 s8, $0xFFFFF086  }
0x1c: {  	p1 =	slt.u32 s9, $0xF7A;
	s5 =	simm.s32 @!p2 $0x0  }
0x1d: {  	s5 =	simm.s32 @p1 $0x1;
	p0 =	seq.s32 s7, s2  }
0x1e: {  	s7 =	smul.u32 @!p0 $0xF7A, s2;
	p2 =	seq.s32 @!p0 s5, $0x0  }
0x1f: {  	s9 =	smul.u32 $0xF7A, s1;
	s8 =	simm.s32 @!p0 $0x1BF5;
	p2 =	por !p2, p0  }
0x20: {  	[sflag:s8] =	ssyncset.s32 @!p0 $0xFFFFF086;
	s6 =	sadd.s32 @!p0 s3, s7;
	s7 =	simm.s32 @!p0 $0x108  }
0x21: {  	s3 =	sadd.s32 s3, s9;
	s6 =	sadd.s32 @!p0 $0x88, s6;
	s7 =	simm.s32 @p2 $0x1082  }
0x22: {  	[simem:s7], [sflag:s8] =	dma.local @!p0 [hbm:s6], $0xF7A  }
0x23: {  	s9 =	sor.u32 $0xD0000000, s2;
	s6 =	simm.s32 $0x108;
	_ =	swait.ge @!p0 [sflag:s8], $0x0  }
0x24: {  	s3 =	sadd.s32 $0x88, s3;
	s6 =	simm.s32 @!p1 $0x1082;
	[sflag:s4] =	ssyncset.s32 $0xFFFFF086  }
0x25: {  	[simem:s6], [sflag:s4] =	dma.local [hbm:s3], $0xF7A  }
0x26: {  	[smem:$0x3F9C] =	sst s1;
	(tag) =	ssettag s2;
	_ =	strace s9  }
0x27: {  	s1 =	sld [smem:$0x3FAC]  }
0x28: {  	s2 =	sld [smem:$0x3FAD]  }
0x29: {  	s4 =	sld [smem:$0x3FAF]  }
0x2a: {  	p0 =	seq.s32 s5, $0x0;
	s5 =	sld [smem:$0x3FB0]  }
0x2b: {  	s6 =	sld [smem:$0x3FB1]  }
0x2c: {  	s7 =	sld [smem:$0x3FB2]  }
0x2d: {  	s3 =	simm.s32 $0x108;
	s8 =	sld [smem:$0x3FB3]  }
0x2e: {  	s3 =	simm.s32 @!p0 $0x1082;
	s9 =	sld [smem:$0x3FB4]  }
0x2f: {  	lr =	sadd.s32 s0, s3;
	s0 =	sld [smem:$0x3FAB]  }
0x30: {  	s3 =	sld [smem:$0x3FAE]  }
0x31: {  	[smem:$0x3FB7] =	sst s10  }
0x32: {  	s10 =	sld [smem:$0x3FB5];
	_ =	sdelay $0x3  }
0x33: {  	p0 =	seq.s32 s10, $0x1;
	s10 =	sld [smem:$0x3FB7];
	_ =	sdelay $0x3  }
0x34: {  	[smem:$0x3FB7] =	sst s10  }
0x35: {  	s10 =	sld [smem:$0x3FB6];
	_ =	sdelay $0x3  }
0x36: {  	p1 =	seq.s32 s10, $0x1;
	s10 =	sld [smem:$0x3FB7];
	_ =	sdelay $0x3  }
0x37: {  	[smem:$0x3FB7] =	sst s10  }
0x38: {  	s10 =	sld [smem:$0x3FB8]  }
0x39: {  	_ = 	snop;
	(pc) =	sbr.ind lr, $3  }
0x3a: {  	_ = 	snop  }
0x3b: {  	_ = 	snop  }
0x3c: {  	p2 =	seq.s32 s10, $0x1;
	s10 =	sld [smem:$0x3FB7]  }
0x3d: {  	_ =	shalt  }
0x3e: {  	_ =	shalt  }
0x3f: {  	_ =	shalt  }
0x40: {  	_ =	shalt  }
0x41: {  	_ =	shalt  }
0x42: {  	_ =	shalt  }
0x43: {  	_ =	shalt  }
0x44: {  	_ =	shalt  }
0x45: {  	_ =	shalt  }
0x46: {  	_ =	shalt  }
0x47: {  	_ =	shalt  }
0x48: {  	_ =	shalt  }
0x49: {  	_ =	shalt  }
0x4a: {  	_ =	shalt  }
0x4b: {  	_ =	shalt  }
0x4c: {  	_ =	shalt  }
0x4d: {  	_ =	shalt  }
0x4e: {  	_ =	shalt  }
0x4f: {  	_ =	shalt  }
0x50: {  	_ =	shalt  }
0x51: {  	_ =	shalt  }
0x52: {  	_ =	shalt  }
0x53: {  	_ =	shalt  }
0x54: {  	_ =	shalt  }
0x55: {  	_ =	shalt  }
0x56: {  	_ =	shalt  }
0x57: {  	_ =	shalt  }
0x58: {  	_ =	shalt  }
0x59: {  	_ =	shalt  }
0x5a: {  	_ =	shalt  }
0x5b: {  	_ =	shalt  }
0x5c: {  	_ =	shalt  }
0x5d: {  	_ =	shalt  }
0x5e: {  	_ =	shalt  }
0x5f: {  	_ =	shalt  }
0x60: {  	_ =	shalt  }
0x61: {  	_ =	shalt  }
0x62: {  	_ =	shalt  }
0x63: {  	_ =	shalt  }
0x64: {  	_ =	shalt  }
0x65: {  	_ =	shalt  }
0x66: {  	_ =	shalt  }
0x67: {  	_ =	shalt  }
0x68: {  	_ =	shalt  }
0x69: {  	_ =	shalt  }
0x6a: {  	_ =	shalt  }
0x6b: {  	_ =	shalt  }
0x6c: {  	_ =	shalt  }
0x6d: {  	_ =	shalt  }
0x6e: {  	_ =	shalt  }
0x6f: {  	_ =	shalt  }
0x70: {  	_ =	shalt  }
0x71: {  	_ =	shalt  }
0x72: {  	_ =	shalt  }
0x73: {  	_ =	shalt  }
0x74: {  	_ =	shalt  }
0x75: {  	_ =	shalt  }
0x76: {  	_ =	shalt  }
0x77: {  	_ =	shalt  }
0x78: {  	_ =	shalt  }
0x79: {  	_ =	shalt  }
0x7a: {  	_ =	shalt  }
0x7b: {  	_ =	shalt  }
0x7c: {  	_ =	shalt  }
0x7d: {  	_ =	shalt  }
0x7e: {  	_ =	shalt  }
0x7f: {  	_ =	shalt  }
0x80: {  	_ =	shalt  }
0x81: {  	_ =	shalt  }
0x82: {  	_ =	shalt  }
0x83: {  	_ =	shalt  }
0x84: {  	_ =	shalt  }
0x85: {  	_ =	shalt  }
0x86: {  	_ =	shalt  }
0x87: {  	_ =	shalt  }
.Lfunc_end0:
.L_simem_size_0:
called_computation_lowered:
.L_overlay_start_0:
0x88: {  	s2 =	sld [smem:$0x3FD9]  }
0x89: {  	s3 =	sld [smem:$0x3FFE];
	_ =	sdelay $0x1  }
0x8a: {  	s1 =	srdreg.scid  }
0x8b: {  	s0 =	sand.u32 $0x1, s1  }
0x8c: {  	s30 =	sshll.u32 s0, $0xA;
	s2 =	sadd.s32 s3, s2  }
0x8d: {  	s2 =	sadd.s32 s2, s30  }
0x8e: {  	[smem:$0x3FC3] =	sst s2  }
0x8f: {  	_ = 	snop  }
0x90: {  	s2 =	sld [smem:$0x3FC9]  }
0x91: {  	s31 =	sld [smem:$0x3FC8]  }
0x92: {  	s4 =	sld [smem:$0x3FD0]  }
0x93: {  	s5 =	sld [smem:$0x3FC7]  }
0x94: {  	s6 =	sld [smem:$0x3FC6]  }
0x95: {  	s8 =	simm.s32 $0xA;
	s9 =	simm.s32 $0x10;
	s7 =	sld [smem:$0x3FC5]  }
0x96: {  	[smem:s9], [sflag:s8] =	dma.local [hbm:s4], $0x1  }
0x97: {  	_ =	swait.eq [sflag:s8], $0x1  }
0x98: {  	s16 =	sld [smem:$0x10]  }
0x99: {  	s17 =	sld [smem:$0x11];
	[sflag:s8] =	ssyncset.done $0x0  }
0x9a: {  	s10 =	sld [smem:$0x12];
	[sflag:s8] =	ssyncadd.s32 $0xFFFFFFFF  }
0x9b: {  	s18 =	sld [smem:$0x13];
	(tm) =	ssettm $0x1  }
0x9c: {  	s11 =	sld [smem:$0x3FFB];
	_ =	sdelay $0x3  }
0x9d: {  	_ =	strace s11  }
0x9e: {  	s11 =	sld [smem:$0x3FFC];
	_ =	sdelay $0x3  }
0x9f: {  	_ =	strace s11  }
0xa0: {  	s11 =	sld [smem:$0x3FFD];
	_ =	sdelay $0x3  }
0xa1: {  	_ =	strace s11  }
0xa2: {  	_ =	strace $0x8FFFFFFF  }
0xa3: {  	s19 =	sld [smem:$0x3FDB];
	_ =	sdelay $0x1  }
0xa4: {  	s12 =	simm.s32 $_scs_section_size  }
0xa5: {  	s13 =	simm.s32 $_size__tile_overlayer_lowered;
	s14 =	simm.s32 $_tile_overlayer_lowered  }
0xa6: {  	s22 =	simm.s32 $0x1BFF;
	s21 =	sshll.u32 s14, $0x1;
	s11 =	sadd.s32 s12, s19  }
0xa7: {  	s15 =	simm.s32 $0x0;
	s20 =	sshll.u32 s13, $0x1;
	s13 =	sadd.s32 s21, s11  }
0xa8: {  	[timem:s15], [sflag:s22] =	dma.local [hbm:s13], s20  }
0xa9: {  	_ =	swait.ge [sflag:s22], s20  }
0xaa: {  	s12 =	ssub.s32 $0x0, s20;
	[sflag:s22] =	ssyncset.done $0x0  }
0xab: {  	[sflag:s22] =	ssyncadd.s32 s12;
	_ =	sdelay $0x1  }
0xac: {  	s23 =	simm.s32 $0x1B8B  }
0xad: {  	_ =	swait.ge [sflag:s23], $0x1  }
0xae: {  	[sflag:s23] =	ssyncset.done $0x0  }
0xaf: {  	s25 =	simm.s32 $0x1B8E;
	s24 =	sld [smem:$0x3FFE];
	[sflag:s23] =	ssyncadd.s32 $0xFFFFFFFF  }
0xb0: {  	s26 =	simm.s32 $execute0_lowered;
	[smem:$0x3FD2] =	sst s25  }
0xb1: {  	s13 =	sshll.u32 s26, $0x1;
	_ =	strace $0x80000046;
	[dreg:$0x1] =	wrdreg $0xFFFFFFFF  }
0xb2: {  	s28 =	simm.s32 $_size_execute0_lowered;
	s11 =	sadd.s32 s11, s13;
	[dreg:$0x0] =	wrdreg $0x0  }
0xb3: {  	s13 =	sshll.u32 s28, $0x1;
	[dreg:$0x2] =	wrdreg s11  }
0xb4: {  	[dreg:$0x3] =	wrdreg s13  }
0xb5: {  	[dreg:$0x4] =	wrdreg $0xC0  }
0xb6: {  	_ =	task [dreg:s15], $0x5FFFF  }
0xb7: {  	[dreg:$0x1] =	wrdreg $0xFFFFFFFF  }
0xb8: {  	[dreg:$0x0] =	wrdreg $0x60  }
0xb9: {  	[dreg:$0x2] =	wrdreg s2  }
0xba: {  	[dreg:$0x3] =	wrdreg s31  }
0xbb: {  	[dreg:$0x4] =	wrdreg s5  }
0xbc: {  	[dreg:$0x5] =	wrdreg s6  }
0xbd: {  	[dreg:$0x6] =	wrdreg s7  }
0xbe: {  	[dreg:$0x7] =	wrdreg s16  }
0xbf: {  	[dreg:$0x8] =	wrdreg s24  }
0xc0: {  	[dreg:$0x9] =	wrdreg s17  }
0xc1: {  	[dreg:$0xa] =	wrdreg s10  }
0xc2: {  	[dreg:$0xb] =	wrdreg s18  }
0xc3: {  	[dreg:$0xc] =	wrdreg $0x9  }
0xc4: {  	_ =	task.clear_ibuf [dreg:s15], $0xDFFFF;
	_ =	strace $0x90000046  }
0xc5: {  	s29 =	simm.s32 $0x9;
	_ =	strace $0x80000048  }
0xc6: {  	_ =	swait.ge [sflag:s29], $0x1  }
0xc7: {  	[sflag:s29] =	ssyncadd.s32 $0xFFFFFFFF  }
0xc8: {  	_ =	strace $0x90000048  }
0xc9: {  	_ =	sfence  }
0xca: {  	s30 =	sld [smem:$0x0];
	_ =	sdelay $0x2  }
0xcb: {  	s31 =	sshll.u32 s1, $0xD;
	s1 =	sshrl.u32 s1, $0x2  }
0xcc: {  	s3 =	sand.u32 $0x4000, s31;
	s1 =	sadd.s32 s1, s30  }
0xcd: {  	s0 =	sor.u32 s3, s0;
	s1 =	sshll.u32 s1, $0x11  }
0xce: {  	s0 =	sor.u32 s1, s0  }
0xcf: {  	s0 =	sadd.s32 $0x8F2B, s0  }
0xd0: {  	[sflag:s0] =	ssyncadd.remote.s32 $0x1  }
0xd1: {  	_ =	sfence.sel $0xFFFF  }
0xd2: {  	[dreg:$0x0] =	wrdreg $0xFFFFFFFF;
	(pc) =	sbr.abs _section_cstart, $3  }
0xd3: {  	[dreg:$0x1] =	wrdreg $0xFFFFFFFF  }
0xd4: {  	_ =	task.clear_ibuf [dreg:s15], $0x2FFFF;
	_ =	strace $0x9FFFFFFF  }
0xd5: {  	(tm) =	ssettm $0x7FFFFFFF  }
tec
execute0_lowered:
.L_overlay_start_1:
0x0: {  	(tag) =	ssettag $0x1  }
0x1: {  	s0 =	rddreg [dreg:$0x0]  }
0x2: {  	s1 =	rddreg [dreg:$0x1]  }
0x3: {  	s2 =	rddreg [dreg:$0x2]  }
0x4: {  	s3 =	rddreg [dreg:$0x4]  }
0x5: {  	s23 =	srdreg.scid;
	s5 =	stileid.u32  }
0x6: {  	s4 =	rddreg [dreg:$0x7];
	s18 =	sand.u32 $0x1, s23;
	s24 =	sshll.u32 s5, $0x1  }
0x7: {  	[dreg:$0xd] =	wrdreg s4;
	s4 =	sor.u32 s18, s24  }
0x8: {  	[dreg:$0xc] =	wrdreg s3;
	s3 =	smul.u32 $0x310, s4  }
0x9: {  	s6 =	rddreg [dreg:$0x5]  }
0xa: {  	s25 =	rddreg [dreg:$0x9];
	v0 =	vlaneseq.u32;
	s7 =	smin.u32 s3, $0x5E98  }
0xb: {  	[dreg:$0xb] =	wrdreg s2;
	v9 =	vmul.u32 $0x2, v0;
	s8 =	sshll.u32 s7, $0x1  }
0xc: {  	[dreg:$0xe] =	wrdreg s25;
	s5 =	simm.s32 $0x0;
	s26 =	sadd.s32 $0x40, s8  }
0xd: {  	[smem:$0x7FF] =	sst s5;
	v0 =	vadd.s32 s26, v9  }
0xe: {  	s2 =	rddreg [dreg:$0x3];
	_ =	strace $0x80000047;
	s9 =	sadd.s32 $0x60, s8;
	[tilespmem:$0x1FB50] =	vst v0  }
0xf: {  	v1 =	vadd.s32 s9, v9;
	[tilespmem:$0x20] =	vst v0  }
0x10: {  	s10 =	sadd.s32 $0x80, s8;
	[tilespmem:$0x1FB60] =	vst v1  }
0x11: {  	v0 =	vadd.s32 s10, v9;
	[tilespmem:$0x30] =	vst v1  }
0x12: {  	s11 =	sadd.s32 $0xA0, s8;
	[tilespmem:$0x1FB70] =	vst v0  }
0x13: {  	v1 =	vadd.s32 s11, v9;
	[tilespmem:$0x40] =	vst v0  }
0x14: {  	s12 =	sadd.s32 $0xC0, s8;
	[tilespmem:$0x1FB80] =	vst v1  }
0x15: {  	v0 =	vadd.s32 s12, v9;
	[tilespmem:$0x50] =	vst v1  }
0x16: {  	s13 =	sadd.s32 $0xE0, s8;
	[tilespmem:$0x1FB90] =	vst v0  }
0x17: {  	v1 =	vadd.s32 s13, v9;
	[tilespmem:$0x60] =	vst v0  }
0x18: {  	s14 =	sadd.s32 $0x100, s8;
	[tilespmem:$0x1FBA0] =	vst v1  }
0x19: {  	v0 =	vadd.s32 s14, v9;
	[tilespmem:$0x70] =	vst v1  }
0x1a: {  	s15 =	sadd.s32 $0x120, s8;
	[tilespmem:$0x1FBB0] =	vst v0  }
0x1b: {  	v1 =	vadd.s32 s15, v9;
	[tilespmem:$0x80] =	vst v0  }
0x1c: {  	s16 =	sadd.s32 $0x140, s8;
	[tilespmem:$0x1FBC0] =	vst v1  }
0x1d: {  	v0 =	vadd.s32 s16, v9;
	[tilespmem:$0x90] =	vst v1  }
0x1e: {  	s17 =	sadd.s32 $0x160, s8;
	[tilespmem:$0x1FBD0] =	vst v0  }
0x1f: {  	v1 =	vadd.s32 s17, v9;
	[tilespmem:$0xA0] =	vst v0  }
0x20: {  	s19 =	sadd.s32 $0x180, s8;
	[tilespmem:$0x1FBE0] =	vst v1  }
0x21: {  	v0 =	vadd.s32 s19, v9;
	[tilespmem:$0xB0] =	vst v1  }
0x22: {  	s20 =	sadd.s32 $0x1A0, s8;
	[tilespmem:$0x1FBF0] =	vst v0  }
0x23: {  	v1 =	vadd.s32 s20, v9;
	[tilespmem:$0xC0] =	vst v0  }
0x24: {  	s21 =	sadd.s32 $0x1C0, s8;
	[tilespmem:$0x1FC00] =	vst v1  }
0x25: {  	v0 =	vadd.s32 s21, v9;
	[tilespmem:$0xD0] =	vst v1  }
0x26: {  	s22 =	sadd.s32 $0x1E0, s8;
	[tilespmem:$0x1FC10] =	vst v0  }
0x27: {  	v1 =	vadd.s32 s22, v9;
	[tilespmem:$0xE0] =	vst v0  }
0x28: {  	s10 =	sadd.s32 $0x200, s8;
	[tilespmem:$0x1FC20] =	vst v1  }
0x29: {  	v0 =	vadd.s32 s10, v9;
	[tilespmem:$0xF0] =	vst v1  }
0x2a: {  	s23 =	sadd.s32 $0x220, s8;
	s9 =	smul.u32 $0x140, s4;
	[tilespmem:$0x1FC30] =	vst v0  }
0x2b: {  	v1 =	vadd.s32 s23, v9;
	[tilespmem:$0x100] =	vst v0  }
0x2c: {  	s3 =	smin.u32 s9, $0x25D0;
	[tilespmem:$0x1FC40] =	vst v1  }
0x2d: {  	s9 =	sshll.u32 s3, $0x1;
	v0 =	vadd.s32 s8, v9;
	[tilespmem:$0x110] =	vst v1  }
0x2e: {  	s24 =	sadd.s32 $0x261, s9;
	[tilespmem:$0x1FC50] =	vst v0  }
0x2f: {  	v1 =	vor.u32 s24, v9;
	[tilespmem:$0x0] =	vst v0  }
0x30: {  	s11 =	sadd.s32 $0x241, s9;
	[tilespmem:$0x1FC60] =	vst v1  }
0x31: {  	v0 =	vor.u32 s11, v9;
	[tilespmem:$0x17B0] =	vst v1  }
0x32: {  	s25 =	sadd.s32 $0x221, s9;
	[tilespmem:$0x1FC70] =	vst v0  }
0x33: {  	v1 =	vor.u32 s25, v9;
	[tilespmem:$0x17A0] =	vst v0  }
0x34: {  	s26 =	sadd.s32 $0x201, s9;
	[tilespmem:$0x1FC80] =	vst v1  }
0x35: {  	v0 =	vor.u32 s26, v9;
	[tilespmem:$0x1790] =	vst v1  }
0x36: {  	s12 =	sadd.s32 $0x1E1, s9;
	[tilespmem:$0x1FC90] =	vst v0  }
0x37: {  	v1 =	vor.u32 s12, v9;
	[tilespmem:$0x1780] =	vst v0  }
0x38: {  	s13 =	sadd.s32 $0x1C1, s9;
	[tilespmem:$0x1FCA0] =	vst v1  }
0x39: {  	v0 =	vor.u32 s13, v9;
	[tilespmem:$0x1770] =	vst v1  }
0x3a: {  	s14 =	sadd.s32 $0x1A1, s9;
	[tilespmem:$0x1FCB0] =	vst v0  }
0x3b: {  	v1 =	vor.u32 s14, v9;
	[tilespmem:$0x1760] =	vst v0  }
0x3c: {  	s15 =	sadd.s32 $0x181, s9;
	[tilespmem:$0x1FCC0] =	vst v1  }
0x3d: {  	v0 =	vor.u32 s15, v9;
	[tilespmem:$0x1750] =	vst v1  }
0x3e: {  	s16 =	sadd.s32 $0x161, s9;
	[tilespmem:$0x1FCD0] =	vst v0  }
0x3f: {  	v1 =	vor.u32 s16, v9;
	[tilespmem:$0x1740] =	vst v0  }
0x40: {  	s17 =	sadd.s32 $0x141, s9;
	[tilespmem:$0x1FCE0] =	vst v1  }
0x41: {  	v0 =	vor.u32 s17, v9;
	[tilespmem:$0x1730] =	vst v1  }
0x42: {  	s19 =	sadd.s32 $0x121, s9;
	[tilespmem:$0x1FCF0] =	vst v0  }
0x43: {  	v1 =	vor.u32 s19, v9;
	[tilespmem:$0x1720] =	vst v0  }
0x44: {  	s20 =	sadd.s32 $0x101, s9;
	[tilespmem:$0x1FD00] =	vst v1  }
0x45: {  	v0 =	vor.u32 s20, v9;
	[tilespmem:$0x1710] =	vst v1  }
0x46: {  	s21 =	sadd.s32 $0xE1, s9;
	[tilespmem:$0x1FD10] =	vst v0  }
0x47: {  	v1 =	vor.u32 s21, v9;
	[tilespmem:$0x1700] =	vst v0  }
0x48: {  	s22 =	sadd.s32 $0xC1, s9;
	[tilespmem:$0x1FD20] =	vst v1  }
0x49: {  	v0 =	vor.u32 s22, v9;
	[tilespmem:$0x16F0] =	vst v1  }
0x4a: {  	s23 =	sadd.s32 $0xA1, s9;
	[tilespmem:$0x1FD30] =	vst v0  }
0x4b: {  	v1 =	vor.u32 s23, v9;
	[tilespmem:$0x16E0] =	vst v0  }
0x4c: {  	s24 =	sadd.s32 $0x81, s9;
	[tilespmem:$0x1FD40] =	vst v1  }
0x4d: {  	v0 =	vor.u32 s24, v9;
	[tilespmem:$0x16D0] =	vst v1  }
0x4e: {  	s25 =	sadd.s32 $0x61, s9;
	[tilespmem:$0x1FD50] =	vst v0  }
0x4f: {  	v1 =	vor.u32 s25, v9;
	[tilespmem:$0x16C0] =	vst v0  }
0x50: {  	s26 =	sor.u32 $0x41, s9;
	[tilespmem:$0x1FD60] =	vst v1  }
0x51: {  	v0 =	vor.u32 s26, v9;
	[tilespmem:$0x16B0] =	vst v1  }
0x52: {  	s12 =	sadd.s32 $0x21, s9;
	[tilespmem:$0x1FD70] =	vst v0  }
0x53: {  	v1 =	vor.u32 s12, v9;
	[tilespmem:$0x16A0] =	vst v0  }
0x54: {  	s13 =	sshllo.u32 s3, $0x1;
	[tilespmem:$0x1FD80] =	vst v1  }
0x55: {  	v0 =	vor.u32 s13, v9;
	[tilespmem:$0x1690] =	vst v1  }
0x56: {  	s14 =	sadd.s32 $0x260, s9;
	[tilespmem:$0x1FD90] =	vst v0  }
0x57: {  	v1 =	vor.u32 s14, v9;
	[tilespmem:$0x1680] =	vst v0  }
0x58: {  	s15 =	sadd.s32 $0x240, s9;
	[tilespmem:$0x1FDA0] =	vst v1  }
0x59: {  	v0 =	vor.u32 s15, v9;
	[tilespmem:$0x1630] =	vst v1  }
0x5a: {  	s16 =	sadd.s32 $0x220, s9;
	[tilespmem:$0x1FDB0] =	vst v0  }
0x5b: {  	v1 =	vor.u32 s16, v9;
	[tilespmem:$0x1620] =	vst v0  }
0x5c: {  	s17 =	sadd.s32 $0x200, s9;
	[tilespmem:$0x1FDC0] =	vst v1  }
0x5d: {  	v0 =	vor.u32 s17, v9;
	[tilespmem:$0x1610] =	vst v1  }
0x5e: {  	s19 =	sadd.s32 $0x1E0, s9;
	[tilespmem:$0x1FDD0] =	vst v0  }
0x5f: {  	v1 =	vor.u32 s19, v9;
	[tilespmem:$0x1600] =	vst v0  }
0x60: {  	s20 =	sadd.s32 $0x1C0, s9;
	[tilespmem:$0x1FDE0] =	vst v1  }
0x61: {  	v0 =	vor.u32 s20, v9;
	[tilespmem:$0x15F0] =	vst v1  }
0x62: {  	s21 =	sadd.s32 $0x1A0, s9;
	[tilespmem:$0x1FDF0] =	vst v0  }
0x63: {  	v1 =	vor.u32 s21, v9;
	[tilespmem:$0x15E0] =	vst v0  }
0x64: {  	s22 =	sadd.s32 $0x180, s9;
	[tilespmem:$0x1FE00] =	vst v1  }
0x65: {  	v0 =	vor.u32 s22, v9;
	[tilespmem:$0x15D0] =	vst v1  }
0x66: {  	s23 =	sadd.s32 $0x160, s9;
	[tilespmem:$0x1FE10] =	vst v0  }
0x67: {  	v1 =	vor.u32 s23, v9;
	[tilespmem:$0x15C0] =	vst v0  }
0x68: {  	s24 =	sadd.s32 $0x140, s9;
	[tilespmem:$0x1FE20] =	vst v1  }
0x69: {  	v0 =	vor.u32 s24, v9;
	[tilespmem:$0x15B0] =	vst v1  }
0x6a: {  	s25 =	sadd.s32 $0x120, s9;
	[tilespmem:$0x1FE30] =	vst v0  }
0x6b: {  	v1 =	vor.u32 s25, v9;
	[tilespmem:$0x15A0] =	vst v0  }
0x6c: {  	s26 =	sadd.s32 $0x100, s9;
	[tilespmem:$0x1FE40] =	vst v1  }
0x6d: {  	v0 =	vor.u32 s26, v9;
	[tilespmem:$0x1590] =	vst v1  }
0x6e: {  	s12 =	sadd.s32 $0xE0, s9;
	[tilespmem:$0x1FE50] =	vst v0  }
0x6f: {  	v1 =	vor.u32 s12, v9;
	[tilespmem:$0x1580] =	vst v0  }
0x70: {  	s13 =	sadd.s32 $0xC0, s9;
	[tilespmem:$0x1FE60] =	vst v1  }
0x71: {  	v0 =	vor.u32 s13, v9;
	[tilespmem:$0x1570] =	vst v1  }
0x72: {  	s14 =	sadd.s32 $0xA0, s9;
	[tilespmem:$0x1FE70] =	vst v0  }
0x73: {  	v1 =	vor.u32 s14, v9;
	[tilespmem:$0x1560] =	vst v0  }
0x74: {  	s15 =	sadd.s32 $0x80, s9;
	[tilespmem:$0x1FE80] =	vst v1  }
0x75: {  	v0 =	vor.u32 s15, v9;
	[tilespmem:$0x1550] =	vst v1  }
0x76: {  	s16 =	sadd.s32 $0x60, s9;
	[tilespmem:$0x1FE90] =	vst v0  }
0x77: {  	v1 =	vor.u32 s16, v9;
	[tilespmem:$0x1540] =	vst v0  }
0x78: {  	s17 =	sor.u32 $0x40, s9;
	[tilespmem:$0x1FEA0] =	vst v1  }
0x79: {  	v0 =	vor.u32 s17, v9;
	[tilespmem:$0x1530] =	vst v1  }
0x7a: {  	s19 =	sadd.s32 $0x20, s9;
	[tilespmem:$0x1FEB0] =	vst v0  }
0x7b: {  	v1 =	vor.u32 s19, v9;
	[tilespmem:$0x1520] =	vst v0  }
0x7c: {  	[tilespmem:$0x1FEC0] =	vst v1  }
0x7d: {  	v0 =	vor.u32 s9, v9;
	[tilespmem:$0x1510] =	vst v1  }
0x7e: {  	s20 =	sadd.s32 $0x601, s8;
	[tilespmem:$0x1FED0] =	vst v0  }
0x7f: {  	v1 =	vadd.s32 s20, v9;
	[tilespmem:$0x1500] =	vst v0  }
0x80: {  	s21 =	sadd.s32 $0x5E1, s8;
	[tilespmem:$0x1FEE0] =	vst v1  }
0x81: {  	v0 =	vadd.s32 s21, v9;
	[tilespmem:$0x680] =	vst v1  }
0x82: {  	s22 =	sadd.s32 $0x5C1, s8;
	[tilespmem:$0x1FEF0] =	vst v0  }
0x83: {  	v1 =	vadd.s32 s22, v9;
	[tilespmem:$0x670] =	vst v0  }
0x84: {  	s23 =	sadd.s32 $0x5A1, s8;
	[tilespmem:$0x1FF00] =	vst v1  }
0x85: {  	v0 =	vadd.s32 s23, v9;
	[tilespmem:$0x660] =	vst v1  }
0x86: {  	s24 =	sadd.s32 $0x581, s8;
	[tilespmem:$0x1FF10] =	vst v0  }
0x87: {  	v1 =	vadd.s32 s24, v9;
	[tilespmem:$0x650] =	vst v0  }
0x88: {  	s25 =	sadd.s32 $0x561, s8;
	[tilespmem:$0x1FF20] =	vst v1  }
0x89: {  	v0 =	vadd.s32 s25, v9;
	[tilespmem:$0x640] =	vst v1  }
0x8a: {  	s26 =	sadd.s32 $0x541, s8;
	[tilespmem:$0x1FF30] =	vst v0  }
0x8b: {  	[tilespmem:$0x630] =	vst v0;
	v0 =	vadd.s32 s26, v9  }
0x8c: {  	s25 =	sadd.s32 $0x381, s8;
	[tilespmem:$0x1FF40] =	vst v0  }
0x8d: {  	s11 =	sadd.s32 $0x521, s8;
	v13 =	vadd.s32 s25, v9;
	[tilespmem:$0x620] =	vst v0  }
0x8e: {  	v0 =	vadd.s32 s11, v9;
	[tilespmem:$0x540] =	vst v13  }
0x8f: {  	s26 =	sadd.s32 $0x361, s8;
	[tilespmem:$0x1FF50] =	vst v0  }
0x90: {  	s25 =	sadd.s32 $0x1A1, s8;
	v14 =	vadd.s32 s26, v9;
	[tilespmem:$0x610] =	vst v0  }
0x91: {  	s12 =	sadd.s32 $0x501, s8;
	v28 =	vadd.s32 s25, v9;
	[tilespmem:$0x530] =	vst v14  }
0x92: {  	v0 =	vadd.s32 s12, v9;
	[tilespmem:$0x450] =	vst v28  }
0x93: {  	s11 =	sadd.s32 $0x341, s8;
	[tilespmem:$0x1FF60] =	vst v0  }
0x94: {  	s26 =	sadd.s32 $0x181, s8;
	v15 =	vadd.s32 s11, v9;
	[tilespmem:$0x600] =	vst v0  }
0x95: {  	s25 =	sadd.s32 $0x5E0, s8;
	v29 =	vadd.s32 s26, v9;
	[tilespmem:$0x520] =	vst v15  }
0x96: {  	s13 =	sadd.s32 $0x4E1, s8;
	v43 =	vadd.s32 s25, v9;
	[tilespmem:$0x440] =	vst v29  }
0x97: {  	v0 =	vadd.s32 s13, v9;
	[tilespmem:$0x2F0] =	vst v43  }
0x98: {  	s12 =	sadd.s32 $0x321, s8;
	[tilespmem:$0x1FF70] =	vst v0  }
0x99: {  	s11 =	sadd.s32 $0x161, s8;
	v16 =	vadd.s32 s12, v9;
	[tilespmem:$0x5F0] =	vst v0  }
0x9a: {  	s26 =	sadd.s32 $0x5C0, s8;
	v30 =	vadd.s32 s11, v9;
	[tilespmem:$0x510] =	vst v16  }
0x9b: {  	s25 =	sadd.s32 $0x400, s8;
	v44 =	vadd.s32 s26, v9;
	[tilespmem:$0x430] =	vst v30  }
0x9c: {  	s14 =	sadd.s32 $0x4C1, s8;
	v58 =	vadd.s32 s25, v9;
	[tilespmem:$0x2E0] =	vst v44  }
0x9d: {  	v0 =	vadd.s32 s14, v9;
	[tilespmem:$0x200] =	vst v58  }
0x9e: {  	s13 =	sadd.s32 $0x301, s8;
	[tilespmem:$0x1FF80] =	vst v0  }
0x9f: {  	s12 =	sadd.s32 $0x141, s8;
	v17 =	vadd.s32 s13, v9;
	[tilespmem:$0x5E0] =	vst v0  }
0xa0: {  	s11 =	sadd.s32 $0x5A0, s8;
	v31 =	vadd.s32 s12, v9;
	[tilespmem:$0x500] =	vst v17  }
0xa1: {  	s26 =	sadd.s32 $0x3E0, s8;
	v45 =	vadd.s32 s11, v9;
	[tilespmem:$0x420] =	vst v31  }
0xa2: {  	s15 =	sadd.s32 $0x4A1, s8;
	v59 =	vadd.s32 s26, v9;
	[tilespmem:$0x2D0] =	vst v45  }
0xa3: {  	v0 =	vadd.s32 s15, v9;
	[tilespmem:$0x1F0] =	vst v59  }
0xa4: {  	s14 =	sadd.s32 $0x2E1, s8;
	[tilespmem:$0x1FF90] =	vst v0  }
0xa5: {  	s13 =	sadd.s32 $0x121, s8;
	v18 =	vadd.s32 s14, v9;
	[tilespmem:$0x5D0] =	vst v0  }
0xa6: {  	s12 =	sadd.s32 $0x580, s8;
	v32 =	vadd.s32 s13, v9;
	[tilespmem:$0x4F0] =	vst v18  }
0xa7: {  	s11 =	sadd.s32 $0x3C0, s8;
	v46 =	vadd.s32 s12, v9;
	[tilespmem:$0x410] =	vst v32  }
0xa8: {  	s16 =	sadd.s32 $0x481, s8;
	v60 =	vadd.s32 s11, v9;
	[tilespmem:$0x2C0] =	vst v46  }
0xa9: {  	v0 =	vadd.s32 s16, v9;
	[tilespmem:$0x1E0] =	vst v60  }
0xaa: {  	s15 =	sadd.s32 $0x2C1, s8;
	[tilespmem:$0x1FFA0] =	vst v0  }
0xab: {  	s14 =	sadd.s32 $0x101, s8;
	v19 =	vadd.s32 s15, v9;
	[tilespmem:$0x5C0] =	vst v0  }
0xac: {  	s13 =	sadd.s32 $0x560, s8;
	v33 =	vadd.s32 s14, v9;
	[tilespmem:$0x4E0] =	vst v19  }
0xad: {  	s12 =	sadd.s32 $0x3A0, s8;
	v47 =	vadd.s32 s13, v9;
	[tilespmem:$0x400] =	vst v33  }
0xae: {  	s17 =	sadd.s32 $0x461, s8;
	v61 =	vadd.s32 s12, v9;
	[tilespmem:$0x2B0] =	vst v47  }
0xaf: {  	v0 =	vadd.s32 s17, v9;
	[tilespmem:$0x1D0] =	vst v61  }
0xb0: {  	s16 =	sadd.s32 $0x2A1, s8;
	[tilespmem:$0x1FFB0] =	vst v0  }
0xb1: {  	s15 =	sadd.s32 $0xE1, s8;
	v20 =	vadd.s32 s16, v9;
	[tilespmem:$0x5B0] =	vst v0  }
0xb2: {  	s14 =	sadd.s32 $0x540, s8;
	v34 =	vadd.s32 s15, v9;
	[tilespmem:$0x4D0] =	vst v20  }
0xb3: {  	s13 =	sadd.s32 $0x380, s8;
	v48 =	vadd.s32 s14, v9;
	[tilespmem:$0x3F0] =	vst v34  }
0xb4: {  	s19 =	sadd.s32 $0x441, s8;
	v62 =	vadd.s32 s13, v9;
	[tilespmem:$0x2A0] =	vst v48  }
0xb5: {  	v0 =	vadd.s32 s19, v9;
	[tilespmem:$0x1C0] =	vst v62  }
0xb6: {  	s17 =	sadd.s32 $0x281, s8;
	[tilespmem:$0x1FFC0] =	vst v0  }
0xb7: {  	s16 =	sadd.s32 $0xC1, s8;
	v21 =	vadd.s32 s17, v9;
	[tilespmem:$0x5A0] =	vst v0  }
0xb8: {  	s15 =	sadd.s32 $0x520, s8;
	v35 =	vadd.s32 s16, v9;
	[tilespmem:$0x4C0] =	vst v21  }
0xb9: {  	s14 =	sadd.s32 $0x360, s8;
	v49 =	vadd.s32 s15, v9;
	[tilespmem:$0x3E0] =	vst v35  }
0xba: {  	s20 =	sadd.s32 $0x421, s8;
	v63 =	vadd.s32 s14, v9;
	[tilespmem:$0x290] =	vst v49  }
0xbb: {  	v0 =	vadd.s32 s20, v9;
	[tilespmem:$0x1B0] =	vst v63  }
0xbc: {  	s19 =	sadd.s32 $0x261, s8;
	[tilespmem:$0x1FFD0] =	vst v0  }
0xbd: {  	s17 =	sadd.s32 $0xA1, s8;
	v22 =	vadd.s32 s19, v9;
	[tilespmem:$0x590] =	vst v0  }
0xbe: {  	s16 =	sadd.s32 $0x500, s8;
	v36 =	vadd.s32 s17, v9;
	[tilespmem:$0x4B0] =	vst v22  }
0xbf: {  	s21 =	sadd.s32 $0x401, s8;
	v50 =	vadd.s32 s16, v9;
	[tilespmem:$0x3D0] =	vst v36  }
0xc0: {  	v0 =	vadd.s32 s21, v9;
	[tilespmem:$0x280] =	vst v50  }
0xc1: {  	s20 =	sadd.s32 $0x241, s8;
	[tilespmem:$0x1FFE0] =	vst v0  }
0xc2: {  	s19 =	sadd.s32 $0x81, s8;
	v23 =	vadd.s32 s20, v9;
	[tilespmem:$0x580] =	vst v0  }
0xc3: {  	s17 =	sadd.s32 $0x4E0, s8;
	v37 =	vadd.s32 s19, v9;
	[tilespmem:$0x4A0] =	vst v23  }
0xc4: {  	s16 =	sadd.s32 $0x320, s8;
	v51 =	vadd.s32 s17, v9;
	[tilespmem:$0x3C0] =	vst v37  }
0xc5: {  	s22 =	sadd.s32 $0x3E1, s8;
	v1 =	vadd.s32 s16, v9;
	[tilespmem:$0x270] =	vst v51  }
0xc6: {  	v0 =	vadd.s32 s22, v9;
	[tilespmem:$0x190] =	vst v1  }
0xc7: {  	s21 =	sadd.s32 $0x221, s8;
	[tilespmem:$0x1FFF0] =	vst v0  }
0xc8: {  	s20 =	sadd.s32 $0x61, s8;
	v24 =	vadd.s32 s21, v9;
	[tilespmem:$0x570] =	vst v0  }
0xc9: {  	s19 =	sadd.s32 $0x4C0, s8;
	v38 =	vadd.s32 s20, v9;
	[tilespmem:$0x490] =	vst v24  }
0xca: {  	s17 =	sadd.s32 $0x300, s8;
	v52 =	vadd.s32 s19, v9;
	[tilespmem:$0x3B0] =	vst v38  }
0xcb: {  	s23 =	sadd.s32 $0x3C1, s8;
	v2 =	vadd.s32 s17, v9;
	[tilespmem:$0x260] =	vst v52  }
0xcc: {  	s22 =	sadd.s32 $0x201, s8;
	v0 =	vadd.s32 s23, v9;
	[tilespmem:$0x180] =	vst v2  }
0xcd: {  	s21 =	sadd.s32 $0x41, s8;
	v25 =	vadd.s32 s22, v9;
	[tilespmem:$0x560] =	vst v0  }
0xce: {  	s20 =	sadd.s32 $0x4A0, s8;
	v39 =	vadd.s32 s21, v9;
	[tilespmem:$0x480] =	vst v25  }
0xcf: {  	s19 =	sadd.s32 $0x2E0, s8;
	v53 =	vadd.s32 s20, v9;
	[tilespmem:$0x3A0] =	vst v39  }
0xd0: {  	s24 =	sadd.s32 $0x3A1, s8;
	v3 =	vadd.s32 s19, v9;
	[tilespmem:$0x250] =	vst v53  }
0xd1: {  	s23 =	sadd.s32 $0x1E1, s8;
	v12 =	vmov v0;
	v0 =	vadd.s32 s24, v9;
	[tilespmem:$0x170] =	vst v3  }
0xd2: {  	s22 =	sadd.s32 $0x21, s8;
	v26 =	vadd.s32 s23, v9;
	[tilespmem:$0x550] =	vst v0  }
0xd3: {  	s21 =	sadd.s32 $0x480, s8;
	v40 =	vadd.s32 s22, v9;
	[tilespmem:$0x470] =	vst v26  }
0xd4: {  	s20 =	sadd.s32 $0x2C0, s8;
	v54 =	vadd.s32 s21, v9;
	[tilespmem:$0x390] =	vst v40  }
0xd5: {  	s24 =	sadd.s32 $0x1C1, s8;
	v4 =	vadd.s32 s20, v9;
	[tilespmem:$0x240] =	vst v54  }
0xd6: {  	s23 =	sshllo.u32 s7, $0x1;
	v27 =	vadd.s32 s24, v9;
	[tilespmem:$0x160] =	vst v4  }
0xd7: {  	s22 =	sadd.s32 $0x460, s8;
	v41 =	vadd.s32 s23, v9;
	[tilespmem:$0x460] =	vst v27  }
0xd8: {  	s15 =	sadd.s32 $0x340, s8;
	v55 =	vadd.s32 s22, v9;
	[tilespmem:$0x380] =	vst v41  }
0xd9: {  	s21 =	sadd.s32 $0x2A0, s8;
	v11 =	vmov v0;
	v0 =	vadd.s32 s15, v9;
	[tilespmem:$0x230] =	vst v55  }
0xda: {  	s24 =	sadd.s32 $0x600, s8;
	v5 =	vadd.s32 s21, v9;
	[tilespmem:$0x1A0] =	vst v0  }
0xdb: {  	s23 =	sadd.s32 $0x440, s8;
	v42 =	vadd.s32 s24, v9;
	[tilespmem:$0x150] =	vst v5  }
0xdc: {  	s22 =	sadd.s32 $0x280, s8;
	v56 =	vadd.s32 s23, v9;
	[tilespmem:$0x300] =	vst v42  }
0xdd: {  	s24 =	sadd.s32 $0x420, s8;
	v6 =	vadd.s32 s22, v9;
	[tilespmem:$0x220] =	vst v56  }
0xde: {  	s23 =	sadd.s32 $0x260, s8;
	v57 =	vadd.s32 s24, v9;
	[tilespmem:$0x140] =	vst v6  }
0xdf: {  	s24 =	sadd.s32 $0x240, s8;
	v7 =	vadd.s32 s23, v9;
	[tilespmem:$0x210] =	vst v57  }
0xe0: {  	s8 =	sadd.s32 $0x20, s8;
	[tilespmem:$0x130] =	vst v7;
	v8 =	vadd.s32 s24, v9  }
0xe1: {  	s20 =	sshrl.u32 s7, $0x3;
	v9 =	vadd.s32 s8, v9;
	[tilespmem:$0x120] =	vst v8  }
0xe2: {  	s7 =	simm.s32 $0x700;
	s25 =	sadd.s32 s6, s20;
	s6 =	simm.s32 $0x310;
	[tilespmem:$0x10] =	vst v9  }
0xe3: {  	[tilespmem:s7], [sflag:$0x1] =	stream.indirect.gather [hbm4b:s1+s6], $0x1, s5, s6, $0xb8;
	[tilespmem:$0x2000] =	vst v63  }
0xe4: {  	s10 =	simm.s32 $0x1800;
	s26 =	simm.s32 $0x1500;
	s8 =	simm.s32 $0x140  }
0xe5: {  	[tilespmem:s10], [sflag:$0x1] =	stream.indirect.gather [hbm4b:s2+s8], $0x1, s26, s8, $0xb8;
	[tilespmem:$0x2000] =	vst v63  }
0xe6: {  	s11 =	simm.s32 $0x380;
	s12 =	simm.s32 $0xA80;
	s13 =	simm.s32 $0x1680  }
0xe7: {  	[tilespmem:s12], [sflag:$0x1] =	stream.indirect.gather [hbm4b:s1+s6], $0x1, s11, s6, $0xb8;
	[tilespmem:$0x2000] =	vst v63  }
0xe8: {  	s14 =	simm.s32 $0x1980;
	s15 =	simm.s32 $0x1;
	[dreg:$0xf] =	wrdreg s25  }
0xe9: {  	[tilespmem:s14], [sflag:$0x1] =	stream.indirect.gather [hbm4b:s2+s8], $0x1, s13, s8, $0xb8;
	[tilespmem:$0x2000] =	vst v63  }
0xea: {  	_ =	swait.ge [sflag:s15], $0x310  }
0xeb: {  	[sflag:s15] =	ssyncset.done $0x0  }
0xec: {  	[sflag:s15] =	ssyncadd.s32 $0xFFFFFCF0  }
0xed: {  	_ =	swait.ge [sflag:s15], $0x140  }
0xee: {  	[sflag:s15] =	ssyncset.done $0x0  }
0xef: {  	[sflag:s15] =	ssyncadd.s32 $0xFFFFFEC0  }
0xf0: {  	_ =	swait.ge [sflag:s15], $0x310  }
0xf1: {  	[sflag:s15] =	ssyncset.done $0x0  }
0xf2: {  	[sflag:s15] =	ssyncadd.s32 $0xFFFFFCF0  }
0xf3: {  	_ =	swait.ge [sflag:s15], $0x140  }
0xf4: {  	[sflag:s15] =	ssyncset.done $0x0  }
0xf5: {  	s17 =	simm.s32 $0xE00;
	[sflag:s15] =	ssyncadd.s32 $0xFFFFFEC0  }
0xf6: {  	[tilespmem:s17], [sflag:$0x1] =	stream.indirect.gather [hbm4b:s0+s6], $0x1, s7, s6, $0xb8;
	[tilespmem:$0x2000] =	vst v63  }
0xf7: {  	s19 =	simm.s32 $0x1B00  }
0xf8: {  	[tilespmem:s19], [sflag:$0x1] =	stream.indirect.gather [hbm4b:s0+s8], $0x1, s10, s8, $0xb8;
	[tilespmem:$0x2000] =	vst v63  }
0xf9: {  	p0 =	sne.s32 s4, $0x0;
	s21 =	simm.s32 $0x1180  }
0xfa: {  	[tilespmem:s21], [sflag:$0x1] =	stream.indirect.gather [hbm4b:s0+s6], $0x1, s12, s6, $0xb8;
	[tilespmem:$0x2000] =	vst v63  }
0xfb: {  	s22 =	simm.s32 $0x1C80;
	s25 =	simm.s32 @!p0 $0x3  }
0xfc: {  	[tilespmem:s22], [sflag:$0x1] =	stream.indirect.gather [hbm4b:s0+s8], $0x1, s14, s8, $0xb8;
	[tilespmem:$0x2000] =	vst v63  }
0xfd: {  	s23 =	simm.s32 @!p0 $0x0;
	s24 =	simm.s32 @!p0 $0x1E00;
	s4 =	rddreg [dreg:$0xb]  }
0xfe: {  	[tilespmem:s24], [sflag:$0x3] =	stream.linear.gather @!p0 [hbm4b:s4+s23], $0x80, $0x38;
	[tilespmem:$0x2000] =	vst v63  }
0xff: {  	_ =	swait.ge @!p0 [sflag:s25], $0x80  }
0x100: {  	[sflag:s25] =	ssyncset.done @!p0 $0x0  }
0x101: {  	s26 =	simm.s32 @!p0 $0x1F00;
	s4 =	rddreg [dreg:$0xc];
	[sflag:s25] =	ssyncadd.s32 @!p0 $0xFFFFFF80  }
0x102: {  	[tilespmem:s26], [sflag:$0x3] =	stream.linear.gather @!p0 [hbm4b:s4+s23], $0x80, $0x38;
	[tilespmem:$0x2000] =	vst v63  }
0x103: {  	_ =	swait.ge @!p0 [sflag:s25], $0x80  }
0x104: {  	s28 =	simm.s32 @!p0 $0x10;
	[sflag:s25] =	ssyncset.done @!p0 $0x0  }
0x105: {  	s29 =	simm.s32 @!p0 $0x1E80;
	s30 =	simm.s32 @!p0 $0x2;
	[sflag:s25] =	ssyncadd.s32 @!p0 $0xFFFFFF80  }
0x106: {  	[tilespmem:s29], [sflag:$0x2] =	stream.indirect.gather @!p0 [hbm4b:s0+s28], $0x1, s24, s28, $0xb8;
	[tilespmem:$0x2000] =	vst v63  }
0x107: {  	_ =	swait.ge @!p0 [sflag:s30], $0x10  }
0x108: {  	[sflag:s30] =	ssyncset.done @!p0 $0x0  }
0x109: {  	s31 =	simm.s32 @!p0 $0x1F80;
	[sflag:s30] =	ssyncadd.s32 @!p0 $0xFFFFFFF0  }
0x10a: {  	[tilespmem:s31], [sflag:$0x2] =	stream.indirect.gather @!p0 [hbm4b:s0+s30], $0x1, s26, s30, $0xb8;
	[tilespmem:$0x2000] =	vst v63  }
0x10b: {  	_ =	swait.ge @!p0 [sflag:s30], $0x2  }
0x10c: {  	[sflag:s30] =	ssyncset.done @!p0 $0x0  }
0x10d: {  	s4 =	rddreg [dreg:$0xd];
	[sflag:s30] =	ssyncadd.s32 @!p0 $0xFFFFFFFE  }
0x10e: {  	[hbm4b:s4+s23] =	stream.linear.scatter @!p0 [tilespmem:s29], [sflag:$0x3], $0x80, $0x38;
	[tilespmem:$0x2000] =	vst v63  }
0x10f: {  	_ =	swait.ge @!p0 [sflag:s25], $0x80  }
0x110: {  	[sflag:s25] =	ssyncset.done @!p0 $0x0  }
0x111: {  	s4 =	rddreg [dreg:$0xe];
	[sflag:s25] =	ssyncadd.s32 @!p0 $0xFFFFFF80  }
0x112: {  	[hbm4b:s4+s23] =	stream.linear.scatter @!p0 [tilespmem:s31], [sflag:$0x3], $0x80, $0x38;
	[tilespmem:$0x2000] =	vst v63  }
0x113: {  	_ =	swait.ge @!p0 [sflag:s25], $0x80  }
0x114: {  	[sflag:s25] =	ssyncset.done @!p0 $0x0  }
0x115: {  	[sflag:s25] =	ssyncadd.s32 @!p0 $0xFFFFFF80  }
0x116: {  	_ =	swait.ge [sflag:s15], $0x310  }
0x117: {  	[sflag:s15] =	ssyncset.done $0x0  }
0x118: {  	[sflag:s15] =	ssyncadd.s32 $0xFFFFFCF0  }
0x119: {  	_ =	swait.ge [sflag:s15], $0x140  }
0x11a: {  	[sflag:s15] =	ssyncset.done $0x0  }
0x11b: {  	[sflag:s15] =	ssyncadd.s32 $0xFFFFFEC0  }
0x11c: {  	_ =	swait.ge [sflag:s15], $0x310  }
0x11d: {  	[sflag:s15] =	ssyncset.done $0x0  }
0x11e: {  	[sflag:s15] =	ssyncadd.s32 $0xFFFFFCF0  }
0x11f: {  	_ =	swait.ge [sflag:s15], $0x140  }
0x120: {  	[sflag:s15] =	ssyncset.done $0x0  }
0x121: {  	s4 =	simm.s32 $0x3;
	s9 =	rddreg [dreg:$0xf];
	[sflag:s15] =	ssyncadd.s32 $0xFFFFFEC0  }
0x122: {  	[hbm4b:s9+s5] =	stream.linear.scatter [tilespmem:s17], [sflag:$0x3], $0x310, $0x38;
	[tilespmem:$0x2000] =	vst v63  }
0x123: {  	_ =	swait.ge [sflag:s4], $0x310  }
0x124: {  	s16 =	rddreg [dreg:$0x6]  }
0x125: {  	[sflag:s4] =	ssyncset.done $0x0;
	s20 =	sadd.s32 s20, s16  }
0x126: {  	[sflag:s4] =	ssyncadd.s32 $0xFFFFFCF0;
	s20 =	sadd.s32 $0x1400, s20  }
0x127: {  	[hbm4b:s20+s5] =	stream.linear.scatter [tilespmem:s21], [sflag:$0x3], $0x310, $0x38;
	[tilespmem:$0x2000] =	vst v63  }
0x128: {  	_ =	swait.ge [sflag:s4], $0x310  }
0x129: {  	[sflag:s4] =	ssyncset.done $0x0  }
0x12a: {  	s9 =	sshrl.u32 s3, $0x3;
	s16 =	rddreg [dreg:$0x8]  }
0x12b: {  	s18 =	ssub.s32 $0x2, s18;
	[sflag:s4] =	ssyncadd.s32 $0xFFFFFCF0;
	s3 =	sadd.s32 s16, s9  }
0x12c: {  	[hbm4b:s3+s5] =	stream.linear.scatter [tilespmem:s19], [sflag:$0x3], $0x140, $0x38;
	[tilespmem:$0x2000] =	vst v63  }
0x12d: {  	s16 =	sshrl.u32 s18, $0x1;
	_ =	swait.ge [sflag:s4], $0x140  }
0x12e: {  	s16 =	ssub.s32 s18, s16;
	s18 =	rddreg [dreg:$0x6]  }
0x12f: {  	s18 =	sadd.s32 s9, s18;
	s9 =	smax.u32 s16, $0x1  }
0x130: {  	s16 =	sadd.s32 $0xE00, s18;
	s18 =	sadd.s32 $0xFFFFFFFF, s9  }
0x131: {  	p1 =	sne.s32 s18, $0x0  }
.Ltmp0:
0x132: {  	[sflag:s4] =	ssyncset.done $0x0;
	(pc) =	sbr.rel @!p1 .LBB2_2-.Ltmp0, $4  }
0x133: {  	[sflag:s4] =	ssyncadd.s32 $0xFFFFFEC0  }
0x134: {  	[hbm4b:s16+s5] =	stream.linear.scatter [tilespmem:s22], [sflag:$0x3], $0x140, $0x38;
	[tilespmem:$0x2000] =	vst v63  }
0x135: {  	_ =	swait.ge [sflag:s4], $0x140  }
0x136: {  	[sflag:s4] =	ssyncset.done $0x0  }
.LBB2_1:
0x137: {  	v10 =	vld [tilespmem:$0x1FB50];
	_ =	sdelay $0x3  }
0x138: {  	[sflag:s4] =	ssyncadd.s32 $0xFFFFFEC0  }
0x139: {  	[tilespmem:$0x20] =	vst v10;
	v10 =	vld [tilespmem:$0x1FB60];
	_ =	sdelay $0x4  }
0x13a: {  	[tilespmem:$0x30] =	vst v10;
	v10 =	vld [tilespmem:$0x1FB70];
	_ =	sdelay $0x4  }
0x13b: {  	[tilespmem:$0x40] =	vst v10;
	v10 =	vld [tilespmem:$0x1FB80];
	_ =	sdelay $0x4  }
0x13c: {  	[tilespmem:$0x50] =	vst v10;
	v10 =	vld [tilespmem:$0x1FB90];
	_ =	sdelay $0x4  }
0x13d: {  	[tilespmem:$0x60] =	vst v10;
	v10 =	vld [tilespmem:$0x1FBA0];
	_ =	sdelay $0x4  }
0x13e: {  	[tilespmem:$0x70] =	vst v10;
	v10 =	vld [tilespmem:$0x1FBB0];
	_ =	sdelay $0x4  }
0x13f: {  	[tilespmem:$0x80] =	vst v10;
	v10 =	vld [tilespmem:$0x1FBC0];
	_ =	sdelay $0x4  }
0x140: {  	[tilespmem:$0x90] =	vst v10;
	v10 =	vld [tilespmem:$0x1FBD0];
	_ =	sdelay $0x4  }
0x141: {  	[tilespmem:$0xA0] =	vst v10;
	v10 =	vld [tilespmem:$0x1FBE0];
	_ =	sdelay $0x4  }
0x142: {  	[tilespmem:$0xB0] =	vst v10;
	v10 =	vld [tilespmem:$0x1FBF0];
	_ =	sdelay $0x4  }
0x143: {  	[tilespmem:$0xC0] =	vst v10;
	v10 =	vld [tilespmem:$0x1FC00];
	_ =	sdelay $0x4  }
0x144: {  	[tilespmem:$0xD0] =	vst v10;
	v10 =	vld [tilespmem:$0x1FC10];
	_ =	sdelay $0x4  }
0x145: {  	[tilespmem:$0xE0] =	vst v10;
	v10 =	vld [tilespmem:$0x1FC20];
	_ =	sdelay $0x4  }
0x146: {  	[tilespmem:$0xF0] =	vst v10;
	v10 =	vld [tilespmem:$0x1FC30];
	_ =	sdelay $0x4  }
0x147: {  	[tilespmem:$0x100] =	vst v10;
	v10 =	vld [tilespmem:$0x1FC40];
	_ =	sdelay $0x4  }
0x148: {  	[tilespmem:$0x110] =	vst v10;
	v10 =	vld [tilespmem:$0x1FC50];
	_ =	sdelay $0x4  }
0x149: {  	[tilespmem:$0x0] =	vst v10;
	v10 =	vld [tilespmem:$0x1FC60];
	_ =	sdelay $0x4  }
0x14a: {  	[tilespmem:$0x17B0] =	vst v10;
	v10 =	vld [tilespmem:$0x1FC70];
	_ =	sdelay $0x4  }
0x14b: {  	[tilespmem:$0x17A0] =	vst v10;
	v10 =	vld [tilespmem:$0x1FC80];
	_ =	sdelay $0x4  }
0x14c: {  	[tilespmem:$0x1790] =	vst v10;
	v10 =	vld [tilespmem:$0x1FC90];
	_ =	sdelay $0x4  }
0x14d: {  	[tilespmem:$0x1780] =	vst v10;
	v10 =	vld [tilespmem:$0x1FCA0];
	_ =	sdelay $0x4  }
0x14e: {  	[tilespmem:$0x1770] =	vst v10;
	v10 =	vld [tilespmem:$0x1FCB0];
	_ =	sdelay $0x4  }
0x14f: {  	[tilespmem:$0x1760] =	vst v10;
	v10 =	vld [tilespmem:$0x1FCC0];
	_ =	sdelay $0x4  }
0x150: {  	[tilespmem:$0x1750] =	vst v10;
	v10 =	vld [tilespmem:$0x1FCD0];
	_ =	sdelay $0x4  }
0x151: {  	[tilespmem:$0x1740] =	vst v10;
	v10 =	vld [tilespmem:$0x1FCE0];
	_ =	sdelay $0x4  }
0x152: {  	[tilespmem:$0x1730] =	vst v10;
	v10 =	vld [tilespmem:$0x1FCF0];
	_ =	sdelay $0x4  }
0x153: {  	[tilespmem:$0x1720] =	vst v10;
	v10 =	vld [tilespmem:$0x1FD00];
	_ =	sdelay $0x4  }
0x154: {  	[tilespmem:$0x1710] =	vst v10;
	v10 =	vld [tilespmem:$0x1FD10];
	_ =	sdelay $0x4  }
0x155: {  	[tilespmem:$0x1700] =	vst v10;
	v10 =	vld [tilespmem:$0x1FD20];
	_ =	sdelay $0x4  }
0x156: {  	[tilespmem:$0x16F0] =	vst v10;
	v10 =	vld [tilespmem:$0x1FD30];
	_ =	sdelay $0x4  }
0x157: {  	[tilespmem:$0x16E0] =	vst v10;
	v10 =	vld [tilespmem:$0x1FD40];
	_ =	sdelay $0x4  }
0x158: {  	[tilespmem:$0x16D0] =	vst v10;
	v10 =	vld [tilespmem:$0x1FD50];
	_ =	sdelay $0x4  }
0x159: {  	[tilespmem:$0x16C0] =	vst v10;
	v10 =	vld [tilespmem:$0x1FD60];
	_ =	sdelay $0x4  }
0x15a: {  	[tilespmem:$0x16B0] =	vst v10;
	v10 =	vld [tilespmem:$0x1FD70];
	_ =	sdelay $0x4  }
0x15b: {  	[tilespmem:$0x16A0] =	vst v10;
	v10 =	vld [tilespmem:$0x1FD80];
	_ =	sdelay $0x4  }
0x15c: {  	[tilespmem:$0x1690] =	vst v10;
	v10 =	vld [tilespmem:$0x1FD90];
	_ =	sdelay $0x4  }
0x15d: {  	[tilespmem:$0x1680] =	vst v10;
	v10 =	vld [tilespmem:$0x1FDA0];
	_ =	sdelay $0x4  }
0x15e: {  	[tilespmem:$0x1630] =	vst v10;
	v10 =	vld [tilespmem:$0x1FDB0];
	_ =	sdelay $0x4  }
0x15f: {  	[tilespmem:$0x1620] =	vst v10;
	v10 =	vld [tilespmem:$0x1FDC0];
	_ =	sdelay $0x4  }
0x160: {  	[tilespmem:$0x1610] =	vst v10;
	v10 =	vld [tilespmem:$0x1FDD0];
	_ =	sdelay $0x4  }
0x161: {  	[tilespmem:$0x1600] =	vst v10;
	v10 =	vld [tilespmem:$0x1FDE0];
	_ =	sdelay $0x4  }
0x162: {  	[tilespmem:$0x15F0] =	vst v10;
	v10 =	vld [tilespmem:$0x1FDF0];
	_ =	sdelay $0x4  }
0x163: {  	[tilespmem:$0x15E0] =	vst v10;
	v10 =	vld [tilespmem:$0x1FE00];
	_ =	sdelay $0x4  }
0x164: {  	[tilespmem:$0x15D0] =	vst v10;
	v10 =	vld [tilespmem:$0x1FE10];
	_ =	sdelay $0x4  }
0x165: {  	[tilespmem:$0x15C0] =	vst v10;
	v10 =	vld [tilespmem:$0x1FE20];
	_ =	sdelay $0x4  }
0x166: {  	[tilespmem:$0x15B0] =	vst v10;
	v10 =	vld [tilespmem:$0x1FE30];
	_ =	sdelay $0x4  }
0x167: {  	[tilespmem:$0x15A0] =	vst v10;
	v10 =	vld [tilespmem:$0x1FE40];
	_ =	sdelay $0x4  }
0x168: {  	[tilespmem:$0x1590] =	vst v10;
	v10 =	vld [tilespmem:$0x1FE50];
	_ =	sdelay $0x4  }
0x169: {  	[tilespmem:$0x1580] =	vst v10;
	v10 =	vld [tilespmem:$0x1FE60];
	_ =	sdelay $0x4  }
0x16a: {  	[tilespmem:$0x1570] =	vst v10;
	v10 =	vld [tilespmem:$0x1FE70];
	_ =	sdelay $0x4  }
0x16b: {  	[tilespmem:$0x1560] =	vst v10;
	v10 =	vld [tilespmem:$0x1FE80];
	_ =	sdelay $0x4  }
0x16c: {  	[tilespmem:$0x1550] =	vst v10;
	v10 =	vld [tilespmem:$0x1FE90];
	_ =	sdelay $0x4  }
0x16d: {  	[tilespmem:$0x1540] =	vst v10;
	v10 =	vld [tilespmem:$0x1FEA0];
	_ =	sdelay $0x4  }
0x16e: {  	[tilespmem:$0x1530] =	vst v10;
	v10 =	vld [tilespmem:$0x1FEB0];
	_ =	sdelay $0x4  }
0x16f: {  	[tilespmem:$0x1520] =	vst v10;
	v10 =	vld [tilespmem:$0x1FEC0];
	_ =	sdelay $0x4  }
0x170: {  	[tilespmem:$0x1510] =	vst v10;
	v10 =	vld [tilespmem:$0x1FED0];
	_ =	sdelay $0x4  }
0x171: {  	[tilespmem:$0x1500] =	vst v10;
	v10 =	vld [tilespmem:$0x1FEE0];
	_ =	sdelay $0x4  }
0x172: {  	[tilespmem:$0x680] =	vst v10;
	v10 =	vld [tilespmem:$0x1FEF0];
	_ =	sdelay $0x4  }
0x173: {  	[tilespmem:$0x670] =	vst v10;
	v10 =	vld [tilespmem:$0x1FF00];
	_ =	sdelay $0x1  }
0x174: {  	[tilespmem:$0x560] =	vst v12  }
0x175: {  	[tilespmem:$0x550] =	vst v11  }
0x176: {  	[tilespmem:$0x540] =	vst v13  }
0x177: {  	[tilespmem:$0x660] =	vst v10;
	v10 =	vld [tilespmem:$0x1FF10]  }
0x178: {  	[tilespmem:$0x530] =	vst v14  }
0x179: {  	[tilespmem:$0x520] =	vst v15  }
0x17a: {  	[tilespmem:$0x510] =	vst v16  }
0x17b: {  	[tilespmem:$0x500] =	vst v17  }
0x17c: {  	[tilespmem:$0x650] =	vst v10;
	v10 =	vld [tilespmem:$0x1FF20]  }
0x17d: {  	[tilespmem:$0x4F0] =	vst v18  }
0x17e: {  	[tilespmem:$0x4E0] =	vst v19  }
0x17f: {  	[tilespmem:$0x4D0] =	vst v20  }
0x180: {  	[tilespmem:$0x4C0] =	vst v21  }
0x181: {  	[tilespmem:$0x640] =	vst v10;
	v10 =	vld [tilespmem:$0x1FF30]  }
0x182: {  	[tilespmem:$0x4B0] =	vst v22  }
0x183: {  	[tilespmem:$0x4A0] =	vst v23  }
0x184: {  	[tilespmem:$0x490] =	vst v24  }
0x185: {  	[tilespmem:$0x480] =	vst v25  }
0x186: {  	[tilespmem:$0x630] =	vst v10;
	v10 =	vld [tilespmem:$0x1FF40]  }
0x187: {  	[tilespmem:$0x470] =	vst v26  }
0x188: {  	[tilespmem:$0x460] =	vst v27  }
0x189: {  	[tilespmem:$0x450] =	vst v28  }
0x18a: {  	[tilespmem:$0x440] =	vst v29  }
0x18b: {  	[tilespmem:$0x620] =	vst v10;
	v10 =	vld [tilespmem:$0x1FF50]  }
0x18c: {  	[tilespmem:$0x430] =	vst v30  }
0x18d: {  	[tilespmem:$0x420] =	vst v31  }
0x18e: {  	[tilespmem:$0x410] =	vst v32  }
0x18f: {  	[tilespmem:$0x400] =	vst v33  }
0x190: {  	[tilespmem:$0x610] =	vst v10;
	v10 =	vld [tilespmem:$0x1FF60]  }
0x191: {  	[tilespmem:$0x3F0] =	vst v34  }
0x192: {  	[tilespmem:$0x3E0] =	vst v35  }
0x193: {  	[tilespmem:$0x3D0] =	vst v36  }
0x194: {  	[tilespmem:$0x3C0] =	vst v37  }
0x195: {  	[tilespmem:$0x600] =	vst v10;
	v10 =	vld [tilespmem:$0x1FF70]  }
0x196: {  	[tilespmem:$0x3B0] =	vst v38  }
0x197: {  	[tilespmem:$0x3A0] =	vst v39  }
0x198: {  	[tilespmem:$0x390] =	vst v40  }
0x199: {  	[tilespmem:$0x380] =	vst v41  }
0x19a: {  	[tilespmem:$0x5F0] =	vst v10;
	v10 =	vld [tilespmem:$0x1FF80]  }
0x19b: {  	[tilespmem:$0x300] =	vst v42  }
0x19c: {  	[tilespmem:$0x2F0] =	vst v43  }
0x19d: {  	[tilespmem:$0x2E0] =	vst v44  }
0x19e: {  	[tilespmem:$0x2D0] =	vst v45  }
0x19f: {  	[tilespmem:$0x5E0] =	vst v10;
	v10 =	vld [tilespmem:$0x1FF90]  }
0x1a0: {  	[tilespmem:$0x2C0] =	vst v46  }
0x1a1: {  	[tilespmem:$0x2B0] =	vst v47  }
0x1a2: {  	[tilespmem:$0x2A0] =	vst v48  }
0x1a3: {  	[tilespmem:$0x290] =	vst v49  }
0x1a4: {  	[tilespmem:$0x5D0] =	vst v10;
	v10 =	vld [tilespmem:$0x1FFA0]  }
0x1a5: {  	[tilespmem:$0x280] =	vst v50  }
0x1a6: {  	[tilespmem:$0x270] =	vst v51  }
0x1a7: {  	[tilespmem:$0x260] =	vst v52  }
0x1a8: {  	[tilespmem:$0x250] =	vst v53  }
0x1a9: {  	[tilespmem:$0x5C0] =	vst v10;
	v10 =	vld [tilespmem:$0x1FFB0]  }
0x1aa: {  	[tilespmem:$0x240] =	vst v54  }
0x1ab: {  	[tilespmem:$0x230] =	vst v55  }
0x1ac: {  	[tilespmem:$0x220] =	vst v56  }
0x1ad: {  	[tilespmem:$0x210] =	vst v57  }
0x1ae: {  	[tilespmem:$0x5B0] =	vst v10;
	v10 =	vld [tilespmem:$0x1FFC0]  }
0x1af: {  	[tilespmem:$0x200] =	vst v58  }
0x1b0: {  	[tilespmem:$0x1F0] =	vst v59  }
0x1b1: {  	[tilespmem:$0x1E0] =	vst v60  }
0x1b2: {  	[tilespmem:$0x1D0] =	vst v61  }
0x1b3: {  	[tilespmem:$0x5A0] =	vst v10;
	v10 =	vld [tilespmem:$0x1FFD0]  }
0x1b4: {  	[tilespmem:$0x1C0] =	vst v62  }
0x1b5: {  	[tilespmem:$0x1B0] =	vst v63  }
0x1b6: {  	[tilespmem:$0x1A0] =	vst v0  }
0x1b7: {  	[tilespmem:$0x190] =	vst v1  }
0x1b8: {  	[tilespmem:$0x590] =	vst v10;
	v10 =	vld [tilespmem:$0x1FFE0]  }
0x1b9: {  	[tilespmem:$0x180] =	vst v2  }
0x1ba: {  	[tilespmem:$0x170] =	vst v3  }
0x1bb: {  	[tilespmem:$0x160] =	vst v4  }
0x1bc: {  	[tilespmem:$0x150] =	vst v5  }
0x1bd: {  	[tilespmem:$0x580] =	vst v10;
	v10 =	vld [tilespmem:$0x1FFF0]  }
0x1be: {  	[tilespmem:$0x140] =	vst v6  }
0x1bf: {  	[tilespmem:$0x130] =	vst v7  }
0x1c0: {  	[tilespmem:$0x120] =	vst v8  }
0x1c1: {  	[tilespmem:$0x10] =	vst v9  }
0x1c2: {  	[tilespmem:$0x570] =	vst v10  }
0x1c3: {  	[tilespmem:s7], [sflag:$0x1] =	stream.indirect.gather [hbm4b:s1+s6], $0x1, s5, s6, $0xb8;
	[tilespmem:$0x2000] =	vst v63  }
0x1c4: {  	s9 =	simm.s32 $0x1500  }
0x1c5: {  	[tilespmem:s10], [sflag:$0x1] =	stream.indirect.gather [hbm4b:s2+s8], $0x1, s9, s8, $0xb8;
	[tilespmem:$0x2000] =	vst v63  }
0x1c6: {  	_ = 	snop  }
0x1c7: {  	[tilespmem:s12], [sflag:$0x1] =	stream.indirect.gather [hbm4b:s1+s6], $0x1, s11, s6, $0xb8;
	[tilespmem:$0x2000] =	vst v63  }
0x1c8: {  	_ = 	snop  }
0x1c9: {  	[tilespmem:s14], [sflag:$0x1] =	stream.indirect.gather [hbm4b:s2+s8], $0x1, s13, s8, $0xb8;
	[tilespmem:$0x2000] =	vst v63  }
0x1ca: {  	_ =	swait.ge [sflag:s15], $0x310  }
0x1cb: {  	[sflag:s15] =	ssyncset.done $0x0  }
0x1cc: {  	[sflag:s15] =	ssyncadd.s32 $0xFFFFFCF0  }
0x1cd: {  	_ =	swait.ge [sflag:s15], $0x140  }
0x1ce: {  	[sflag:s15] =	ssyncset.done $0x0  }
0x1cf: {  	[sflag:s15] =	ssyncadd.s32 $0xFFFFFEC0  }
0x1d0: {  	_ =	swait.ge [sflag:s15], $0x310  }
0x1d1: {  	[sflag:s15] =	ssyncset.done $0x0  }
0x1d2: {  	[sflag:s15] =	ssyncadd.s32 $0xFFFFFCF0  }
0x1d3: {  	_ =	swait.ge [sflag:s15], $0x140  }
0x1d4: {  	[sflag:s15] =	ssyncset.done $0x0  }
0x1d5: {  	[sflag:s15] =	ssyncadd.s32 $0xFFFFFEC0  }
0x1d6: {  	[tilespmem:s17], [sflag:$0x1] =	stream.indirect.gather [hbm4b:s0+s6], $0x1, s7, s6, $0xb8;
	[tilespmem:$0x2000] =	vst v63  }
0x1d7: {  	_ = 	snop  }
0x1d8: {  	[tilespmem:s19], [sflag:$0x1] =	stream.indirect.gather [hbm4b:s0+s8], $0x1, s10, s8, $0xb8;
	[tilespmem:$0x2000] =	vst v63  }
0x1d9: {  	_ = 	snop  }
0x1da: {  	[tilespmem:s21], [sflag:$0x1] =	stream.indirect.gather [hbm4b:s0+s6], $0x1, s12, s6, $0xb8;
	[tilespmem:$0x2000] =	vst v63  }
0x1db: {  	_ = 	snop  }
0x1dc: {  	[tilespmem:s22], [sflag:$0x1] =	stream.indirect.gather [hbm4b:s0+s8], $0x1, s14, s8, $0xb8;
	[tilespmem:$0x2000] =	vst v63  }
0x1dd: {  	s9 =	rddreg [dreg:$0xb]  }
0x1de: {  	[tilespmem:s24], [sflag:$0x3] =	stream.linear.gather @!p0 [hbm4b:s9+s23], $0x80, $0x38;
	[tilespmem:$0x2000] =	vst v63  }
0x1df: {  	_ =	swait.ge @!p0 [sflag:s25], $0x80  }
0x1e0: {  	[sflag:s25] =	ssyncset.done @!p0 $0x0  }
0x1e1: {  	s9 =	rddreg [dreg:$0xc];
	[sflag:s25] =	ssyncadd.s32 @!p0 $0xFFFFFF80  }
0x1e2: {  	[tilespmem:s26], [sflag:$0x3] =	stream.linear.gather @!p0 [hbm4b:s9+s23], $0x80, $0x38;
	[tilespmem:$0x2000] =	vst v63  }
0x1e3: {  	_ =	swait.ge @!p0 [sflag:s25], $0x80  }
0x1e4: {  	[sflag:s25] =	ssyncset.done @!p0 $0x0  }
0x1e5: {  	[sflag:s25] =	ssyncadd.s32 @!p0 $0xFFFFFF80  }
0x1e6: {  	[tilespmem:s29], [sflag:$0x2] =	stream.indirect.gather @!p0 [hbm4b:s0+s28], $0x1, s24, s28, $0xb8;
	[tilespmem:$0x2000] =	vst v63  }
0x1e7: {  	_ =	swait.ge @!p0 [sflag:s30], $0x10  }
0x1e8: {  	[sflag:s30] =	ssyncset.done @!p0 $0x0  }
0x1e9: {  	[sflag:s30] =	ssyncadd.s32 @!p0 $0xFFFFFFF0  }
0x1ea: {  	[tilespmem:s31], [sflag:$0x2] =	stream.indirect.gather @!p0 [hbm4b:s0+s30], $0x1, s26, s30, $0xb8;
	[tilespmem:$0x2000] =	vst v63  }
0x1eb: {  	_ =	swait.ge @!p0 [sflag:s30], $0x2  }
0x1ec: {  	[sflag:s30] =	ssyncset.done @!p0 $0x0  }
0x1ed: {  	s9 =	rddreg [dreg:$0xd];
	[sflag:s30] =	ssyncadd.s32 @!p0 $0xFFFFFFFE  }
0x1ee: {  	[hbm4b:s9+s23] =	stream.linear.scatter @!p0 [tilespmem:s29], [sflag:$0x3], $0x80, $0x38;
	[tilespmem:$0x2000] =	vst v63  }
0x1ef: {  	_ =	swait.ge @!p0 [sflag:s25], $0x80  }
0x1f0: {  	[sflag:s25] =	ssyncset.done @!p0 $0x0  }
0x1f1: {  	s9 =	rddreg [dreg:$0xe];
	[sflag:s25] =	ssyncadd.s32 @!p0 $0xFFFFFF80  }
0x1f2: {  	[hbm4b:s9+s23] =	stream.linear.scatter @!p0 [tilespmem:s31], [sflag:$0x3], $0x80, $0x38;
	[tilespmem:$0x2000] =	vst v63  }
0x1f3: {  	_ =	swait.ge @!p0 [sflag:s25], $0x80  }
0x1f4: {  	[sflag:s25] =	ssyncset.done @!p0 $0x0  }
0x1f5: {  	[sflag:s25] =	ssyncadd.s32 @!p0 $0xFFFFFF80  }
0x1f6: {  	_ =	swait.ge [sflag:s15], $0x310  }
0x1f7: {  	[sflag:s15] =	ssyncset.done $0x0  }
0x1f8: {  	[sflag:s15] =	ssyncadd.s32 $0xFFFFFCF0  }
0x1f9: {  	_ =	swait.ge [sflag:s15], $0x140  }
0x1fa: {  	[sflag:s15] =	ssyncset.done $0x0  }
0x1fb: {  	[sflag:s15] =	ssyncadd.s32 $0xFFFFFEC0  }
0x1fc: {  	_ =	swait.ge [sflag:s15], $0x310  }
0x1fd: {  	[sflag:s15] =	ssyncset.done $0x0  }
0x1fe: {  	[sflag:s15] =	ssyncadd.s32 $0xFFFFFCF0  }
0x1ff: {  	_ =	swait.ge [sflag:s15], $0x140  }
0x200: {  	[sflag:s15] =	ssyncset.done $0x0  }
0x201: {  	s9 =	rddreg [dreg:$0xf];
	[sflag:s15] =	ssyncadd.s32 $0xFFFFFEC0  }
0x202: {  	[hbm4b:s9+s5] =	stream.linear.scatter [tilespmem:s17], [sflag:$0x3], $0x310, $0x38;
	[tilespmem:$0x2000] =	vst v63  }
0x203: {  	_ =	swait.ge [sflag:s4], $0x310  }
0x204: {  	[sflag:s4] =	ssyncset.done $0x0  }
0x205: {  	[sflag:s4] =	ssyncadd.s32 $0xFFFFFCF0  }
0x206: {  	[hbm4b:s20+s5] =	stream.linear.scatter [tilespmem:s21], [sflag:$0x3], $0x310, $0x38;
	[tilespmem:$0x2000] =	vst v63  }
0x207: {  	_ =	swait.ge [sflag:s4], $0x310  }
0x208: {  	[sflag:s4] =	ssyncset.done $0x0  }
0x209: {  	s18 =	sadd.s32 $0xFFFFFFFF, s18;
	[sflag:s4] =	ssyncadd.s32 $0xFFFFFCF0  }
0x20a: {  	[hbm4b:s3+s5] =	stream.linear.scatter [tilespmem:s19], [sflag:$0x3], $0x140, $0x38;
	[tilespmem:$0x2000] =	vst v63  }
0x20b: {  	p1 =	sne.s32 s18, $0x0;
	_ =	swait.ge [sflag:s4], $0x140  }
.Ltmp1:
0x20c: {  	[sflag:s4] =	ssyncset.done $0x0;
	(pc) =	sbr.rel @p1 .LBB2_1-.Ltmp1, $4  }
0x20d: {  	[sflag:s4] =	ssyncadd.s32 $0xFFFFFEC0  }
0x20e: {  	[hbm4b:s16+s5] =	stream.linear.scatter [tilespmem:s22], [sflag:$0x3], $0x140, $0x38;
	[tilespmem:$0x2000] =	vst v63  }
0x20f: {  	_ =	swait.ge [sflag:s4], $0x140  }
0x210: {  	[sflag:s4] =	ssyncset.done $0x0  }
.LBB2_2:
0x211: {  	[sflag:s4] =	ssyncadd.s32 $0xFFFFFEC0  }
0x212: {  	_ =	sfence.sel $0x180000  }
0x213: {  	[bflag:$0x0] =	sbarrier.arrive $0xFFFF  }
0x214: {  	_ =	strace $0x90000047  }
0x215: {  	s0 =	stileid.u32;
	[bflag:$0x2] =	sbarrier.arrive $0xFFFF  }
0x216: {  	p0 =	sne.s32 s0, $0x0;
	s0 =	rddreg [dreg:$0xa]  }
0x217: {  	s0 =	sadd.s32 @!p0 $0x100000, s0  }
0x218: {  	[sflag:s0] =	ssyncadd.tile.s32 @!p0 $0x1;
	_ =	shalt  }
.Lfunc_end2:
_tile_overlayer_lowered:
.L_overlay_start_2:
0x219: {  	(tag) =	ssettag $0x2  }
0x21a: {  	s0 =	rddreg [dreg:$0x0];
	s2 =	stileid.u32  }
0x21b: {  	s1 =	rddreg [dreg:$0x1];
	p0 =	sne.s32 s2, $0x0  }
0x21c: {  	s3 =	rddreg [dreg:$0x2];
	[bflag:$0x3] =	sbarrier.arrive $0xFFFF;
	s2 =	simm.s32 @!p0 $0x1C03  }
0x21d: {  	[timem:s3], [sflag:s2] =	dma.local @!p0 [hbm:s0], s1  }
0x21e: {  	s0 =	simm.s32 @!p0 $0x3  }
0x21f: {  	_ =	swait.ge @!p0 [sflag:s0], s1  }
0x220: {  	s1 =	ssub.s32 @!p0 $0x0, s1;
	[sflag:s0] =	ssyncset.done @!p0 $0x0  }
0x221: {  	[sflag:s0] =	ssyncadd.s32 @!p0 s1  }
0x222: {  	[bflag:$0x3] =	sbarrier.arrive $0xFFFF  }
0x223: {  	_ =	shalt  }

</sc_bundles>
